<compile_context>
chip_gen: v7x
topology: tpu7x:2x2x1
jax: 0.10.2.dev20260603
libtpu: 0.0.44.dev20260713+nightly
codegen_flags: <defaults>
</compile_context>

<pallas_src>
import functools

import jax
import jax.numpy as jnp
from jax import lax
from jax.experimental import pallas as pl
from jax.experimental.pallas import tpu as pltpu


def _detok_kernel(mask_ref, prob_ref, counts_ref, hs_ref, res_ref, state_ref,
                  out_ref, ns_ref, *, L):
    cnt = counts_ref[0, 0, 0]
    z0 = state_ref[0]

    def body(l, carry):
        c, z, cap = carry
        m = mask_ref[0, 0, l]
        p = prob_ref[0, 0, l]
        c1 = c + m
        decay = jnp.clip(1.0 - p, 0.0, 1.0)
        peff = (1.0 - decay) * m.astype(jnp.float32)
        g = hs_ref[0, pl.ds(jnp.maximum(c1 - 1, 0), 1)]
        z1 = z + peff * (g - z)
        validf = jnp.where((c1 >= 1) & (c1 <= cnt), 1.0, 0.0)
        out_ref[0, pl.ds(l, 1)] = res_ref[0, pl.ds(l, 1)] + validf * z1
        cap1 = jnp.where((m == 1) & (c1 == cnt), z1, cap)
        return (c1, z1, cap1)

    c_fin, z_fin, cap_fin = lax.fori_loop(0, L, body, (jnp.int32(0), z0, z0),
                                          unroll=8)
    ns_ref[0] = jnp.where(cnt > c_fin, z_fin, cap_fin)


@jax.jit
def kernel(hidden_states, residual, token_mask, prob, counts, state):
    B, L, D = residual.shape
    M = hidden_states.shape[1]
    SUB = 8 if D % (8 * 128) == 0 else D // 128
    LANE = D // SUB
    hs4 = hidden_states.reshape(B, M, SUB, LANE)
    res4 = residual.reshape(B, L, SUB, LANE)
    state4 = state.reshape(B, 1, SUB, LANE)
    mask_i32 = token_mask.astype(jnp.int32).reshape(B, 1, L)
    prob_3d = prob.reshape(B, 1, L)
    counts_3d = counts.astype(jnp.int32).reshape(B, 1, 1)

    out, new_state = pl.pallas_call(
        functools.partial(_detok_kernel, L=L),
        grid=(B,),
        in_specs=[
            pl.BlockSpec((1, 1, L), lambda b: (b, 0, 0), memory_space=pltpu.SMEM),
            pl.BlockSpec((1, 1, L), lambda b: (b, 0, 0), memory_space=pltpu.SMEM),
            pl.BlockSpec((1, 1, 1), lambda b: (b, 0, 0), memory_space=pltpu.SMEM),
            pl.BlockSpec((1, M, SUB, LANE), lambda b: (b, 0, 0, 0)),
            pl.BlockSpec((1, L, SUB, LANE), lambda b: (b, 0, 0, 0)),
            pl.BlockSpec((1, 1, SUB, LANE), lambda b: (b, 0, 0, 0)),
        ],
        out_specs=[
            pl.BlockSpec((1, L, SUB, LANE), lambda b: (b, 0, 0, 0)),
            pl.BlockSpec((1, 1, SUB, LANE), lambda b: (b, 0, 0, 0)),
        ],
        out_shape=[
            jax.ShapeDtypeStruct((B, L, SUB, LANE), jnp.float32),
            jax.ShapeDtypeStruct((B, 1, SUB, LANE), jnp.float32),
        ],
        compiler_params=pltpu.CompilerParams(
            dimension_semantics=("arbitrary",),
            vmem_limit_bytes=64 * 1024 * 1024,
        ),
    )(mask_i32, prob_3d, counts_3d, hs4, res4, state4)
    return (out.reshape(B, L, D), new_state.reshape(B, D))

# --- scband reference (transcript-rebuilt; emitter-appended) ---
"""Pipeline reference for scband-de-tokenizer-23716809408981 (READ-ONLY COPY).

The authoritative reference and input builder live on the scoring server;
editing this copy changes nothing except your own understanding.
"""

import jax, jax.numpy as jnp
import numpy as np


def ema_scan(x, decay, initial_state):
    B, L, D = x.shape
    a = jnp.broadcast_to(decay[..., None], (B, L, D))
    b = (1.0 - decay)[..., None] * x
    b = jnp.concatenate([b[:, :1] + a[:, :1] * initial_state[:, None, :], b[:, 1:]], axis=1)
    stride = 1
    while stride < L:
        b = jnp.concatenate([b[:, :stride], a[:, stride:] * b[:, :-stride] + b[:, stride:]], axis=1)
        a = jnp.concatenate([a[:, :stride], a[:, stride:] * a[:, :-stride]], axis=1)
        stride *= 2
    return b


def ste(x):
    # forward: ones_like(x); backward: identity gradient
    return x - jax.lax.stop_gradient(x) + jnp.ones_like(x)


def setup_inputs(seed: int = 0):
    key = jax.random.key(seed)
    B, L, M, D = 8, 2048, 2048, 1024
    k1, k2, k3, k4, k5, k6 = (jax.random.fold_in(key, i) for i in range(6))
    hidden_states = jax.random.normal(k1, (B, M, D), dtype=jnp.float32)
    residual = jax.random.normal(k2, (B, L, D), dtype=jnp.float32)
    token_mask = jax.random.randint(k3, (B, L), 0, 2).astype(bool)
    prob = jax.random.uniform(k4, (B, L), dtype=jnp.float32)
    counts = jax.random.randint(k5, (B,), 0, M)
    state = jax.random.normal(k6, (B, D), dtype=jnp.float32)
    return {"hidden_states": hidden_states, "residual": residual, "token_mask": token_mask, "prob": prob, "counts": counts, "state": state}


def reference(hidden_states, residual, token_mask, prob, counts, state):
    B, L, D = residual.shape
    M = hidden_states.shape[1]
    # Fixed-shape gather indices replacing torch's per-batch boolean-mask loop:
    #   chunk_probs[b, :n_b] = prob[b, token_mask[b]]
    order = jnp.argsort(jnp.logical_not(token_mask), axis=1, stable=True).astype(jnp.int32)
    if L >= M:
        order_m = order[:, :M]
    else:
        order_m = jnp.concatenate([order, jnp.zeros((B, M - L), dtype=jnp.int32)], axis=1)
    n_true = jnp.minimum(jnp.sum(token_mask, axis=1).astype(jnp.int32), M)
    sel_bool = jnp.arange(M)[None, :] < n_true[:, None]
    sel = sel_bool.astype(jnp.float32)
    pos = jnp.where(sel_bool, order_m, 0)
    brange = jnp.arange(B)[:, None]
    chunk_probs = prob[brange, pos] * sel
    decay = jnp.clip(1.0 - chunk_probs, 0.0, 1.0)
    ema_out = ema_scan(hidden_states, decay, state)
    valid_mask = (jnp.arange(M)[None, :] < counts[:, None]).astype(ema_out.dtype)
    ema_out = ema_out * valid_mask[..., None]
    chunk_idx = jnp.cumsum(token_mask.astype(jnp.int32), axis=1) - 1
    chunk_idx_clamped = jnp.clip(chunk_idx, 0, M - 1)
    valid_positions = (chunk_idx >= 0).astype(jnp.float32)
    long_states = ema_out[brange, chunk_idx_clamped]
    long_states = long_states * valid_positions[..., None]
    router_probs_stacked = jnp.stack([1.0 - prob, prob], axis=-1)
    coef = jnp.max(router_probs_stacked, axis=-1)
    coef = ste(coef).astype(long_states.dtype)
    long_states = long_states * coef[..., None]
    output = (residual.astype(jnp.float32) + long_states.astype(jnp.float32)).astype(long_states.dtype)
    # new_state[b] = ema_out[b, counts[b]-1] if counts[b] > 0 else state[b]
    last_idx = jnp.clip(counts - 1, 0, M - 1)
    gathered = ema_out[jnp.arange(B), last_idx]
    new_state = jnp.where((counts > 0)[:, None], gathered, state)
    return (output, new_state)

if __name__ == "__main__":
    import jax
    _d = setup_inputs()
    print(jax.jit(kernel)(*tuple(_d.values())))

</pallas_src>

<mosaic_0001>
module attributes {stable_mosaic.version = 14 : i64} {
  func.func @_detok_kernel(%arg0: i32, %arg1: memref<1x1x2048xi32, #tpu.memory_space<smem>>, %arg2: memref<1x1x2048xf32, #tpu.memory_space<smem>>, %arg3: memref<1x1x1xi32, #tpu.memory_space<smem>>, %arg4: memref<1x2048x8x128xf32, #tpu.memory_space<vmem>>, %arg5: memref<1x2048x8x128xf32, #tpu.memory_space<vmem>>, %arg6: memref<1x1x8x128xf32, #tpu.memory_space<vmem>>, %arg7: memref<1x2048x8x128xf32, #tpu.memory_space<vmem>>, %arg8: memref<1x1x8x128xf32, #tpu.memory_space<vmem>>) attributes {dimension_semantics = [#tpu.dimension_semantics<arbitrary>], iteration_bounds = array<i64: 8>, scalar_prefetch = 0 : i64, scratch_operands = 0 : i64, tpu.core_type = #tpu.core_type<tc>, window_params = [{transform_indices = @transform_0, window_bounds = array<i64: 1, 1, 2048>}, {transform_indices = @transform_1, window_bounds = array<i64: 1, 1, 2048>}, {transform_indices = @transform_2, window_bounds = array<i64: 1, 1, 1>}, {transform_indices = @transform_3, window_bounds = array<i64: 1, 2048, 8, 128>}, {transform_indices = @transform_4, window_bounds = array<i64: 1, 2048, 8, 128>}, {transform_indices = @transform_5, window_bounds = array<i64: 1, 1, 8, 128>}, {transform_indices = @transform_6, window_bounds = array<i64: 1, 2048, 8, 128>}, {transform_indices = @transform_7, window_bounds = array<i64: 1, 1, 8, 128>}]} {
    %get3A = arith.constant 0 : index
    %get3A_0 = arith.constant 0 : index
    %get3A_1 = arith.constant 0 : index
    %get3A_2 = memref.load %arg3[%get3A, %get3A_0, %get3A_1] : memref<1x1x1xi32, #tpu.memory_space<smem>>
    %get3A_3 = arith.constant 0 : index
    %get3A_4 = arith.constant 0 : index
    %get3A_5 = arith.constant 0 : index
    %get3A_6 = arith.constant 0 : index
    %get3A_7 = vector.load %arg6[%get3A_3, %get3A_4, %get3A_5, %get3A_6] : memref<1x1x8x128xf32, #tpu.memory_space<vmem>>, vector<1x1x8x128xf32>
    %get3A_8 = vector.shape_cast %get3A_7 : vector<1x1x8x128xf32> to vector<1x8x128xf32>
    %scan3A = arith.constant 0 : i32
    %scan3A_9 = arith.constant 0 : i32
    %scan3A_10 = arith.constant 2048 : i32
    %scan3A_11 = arith.addi %scan3A_9, %scan3A_10 : i32
    %scan3A_12 = arith.constant 8 : i32
    %scan3A_13:3 = scf.for %scan3A_21 = %scan3A_9 to %scan3A_11 step %scan3A_12 iter_args(%scan3A_22 = %scan3A, %scan3A_23 = %get3A_8, %scan3A_24 = %get3A_8) -> (i32, vector<1x8x128xf32>, vector<1x8x128xf32>)  : i32 {
      %get3A_25 = arith.constant 0 : index
      %get3A_26 = arith.constant 0 : index
      %get3A_27 = arith.index_cast %scan3A_21 : i32 to index
      %get3A_28 = memref.load %arg1[%get3A_25, %get3A_26, %get3A_27] : memref<1x1x2048xi32, #tpu.memory_space<smem>>
      %get3A_29 = arith.constant 0 : index
      %get3A_30 = arith.constant 0 : index
      %get3A_31 = arith.index_cast %scan3A_21 : i32 to index
      %get3A_32 = memref.load %arg2[%get3A_29, %get3A_30, %get3A_31] : memref<1x1x2048xf32, #tpu.memory_space<smem>>
      %add3A = arith.addi %scan3A_22, %get3A_28 : i32
      %sub3A = arith.constant 1.000000e+00 : f32
      %sub3A_33 = arith.subf %sub3A, %get3A_32 : f32
      %jit3A = arith.constant 0.000000e+00 : f32
      %jit3A_34 = arith.constant 1.000000e+00 : f32
      %max3A = arith.maximumf %jit3A, %sub3A_33 : f32
      %min3A = arith.minimumf %jit3A_34, %max3A : f32
      %sub3A_35 = arith.constant 1.000000e+00 : f32
      %sub3A_36 = arith.subf %sub3A_35, %min3A : f32
      %convert_element_type3A = arith.sitofp %get3A_28 : i32 to f32
      %mul3A = arith.mulf %sub3A_36, %convert_element_type3A : f32
      %sub3A_37 = arith.constant 1 : i32
      %sub3A_38 = arith.subi %add3A, %sub3A_37 : i32
      %max3A_39 = arith.constant 0 : i32
      %max3A_40 = arith.maxsi %sub3A_38, %max3A_39 : i32
      %get3A_41 = arith.constant 0 : index
      %get3A_42 = arith.index_cast %max3A_40 : i32 to index
      %get3A_43 = arith.constant 0 : index
      %get3A_44 = arith.constant 0 : index
      %get3A_45 = vector.load %arg4[%get3A_41, %get3A_42, %get3A_43, %get3A_44] : memref<1x2048x8x128xf32, #tpu.memory_space<vmem>>, vector<1x1x8x128xf32>
      %get3A_46 = vector.shape_cast %get3A_45 : vector<1x1x8x128xf32> to vector<1x8x128xf32>
      %sub3A_47 = arith.subf %get3A_46, %scan3A_23 : vector<1x8x128xf32>
      %mul3A_48 = vector.broadcast %mul3A : f32 to vector<1x8x128xf32>
      %mul3A_49 = arith.mulf %mul3A_48, %sub3A_47 : vector<1x8x128xf32>
      %add3A_50 = arith.addf %scan3A_23, %mul3A_49 : vector<1x8x128xf32>
      %ge3A = arith.constant 1 : i32
      %ge3A_51 = arith.cmpi sge, %add3A, %ge3A : i32
      %le3A = arith.cmpi sle, %add3A, %get3A_2 : i32
      %and3A = arith.andi %ge3A_51, %le3A : i1
      %jit3A_52 = arith.constant 1.000000e+00 : f32
      %jit3A_53 = arith.constant 0.000000e+00 : f32
      %select_n3A_54 = arith.select %and3A, %jit3A_52, %jit3A_53 : f32
      %get3A_55 = arith.constant 0 : index
      %get3A_56 = arith.index_cast %scan3A_21 : i32 to index
      %get3A_57 = arith.constant 0 : index
      %get3A_58 = arith.constant 0 : index
      %get3A_59 = vector.load %arg5[%get3A_55, %get3A_56, %get3A_57, %get3A_58] : memref<1x2048x8x128xf32, #tpu.memory_space<vmem>>, vector<1x1x8x128xf32>
      %get3A_60 = vector.shape_cast %get3A_59 : vector<1x1x8x128xf32> to vector<1x8x128xf32>
      %mul3A_61 = vector.broadcast %select_n3A_54 : f32 to vector<1x8x128xf32>
      %mul3A_62 = arith.mulf %mul3A_61, %add3A_50 : vector<1x8x128xf32>
      %add3A_63 = arith.addf %get3A_60, %mul3A_62 : vector<1x8x128xf32>
      %swap3A_64 = arith.constant 0 : index
      %swap3A_65 = arith.index_cast %scan3A_21 : i32 to index
      %swap3A_66 = arith.constant 0 : index
      %swap3A_67 = arith.constant 0 : index
      %swap3A_68 = vector.load %arg7[%swap3A_64, %swap3A_65, %swap3A_66, %swap3A_67] : memref<1x2048x8x128xf32, #tpu.memory_space<vmem>>, vector<1x1x8x128xf32>
      %swap3A_69 = vector.shape_cast %swap3A_68 : vector<1x1x8x128xf32> to vector<1x8x128xf32>
      %swap3A_70 = vector.shape_cast %add3A_63 : vector<1x8x128xf32> to vector<1x1x8x128xf32>
      tpu.vector_store %arg7[%swap3A_64, %swap3A_65, %swap3A_66, %swap3A_67], %swap3A_70 {strides = array<i32>} : memref<1x2048x8x128xf32, #tpu.memory_space<vmem>>, vector<1x1x8x128xf32>,
      %eq3A = arith.constant 1 : i32
      %eq3A_71 = arith.cmpi eq, %get3A_28, %eq3A : i32
      %eq3A_72 = arith.cmpi eq, %add3A, %get3A_2 : i32
      %and3A_73 = arith.andi %eq3A_71, %eq3A_72 : i1
      %select_n3A_74 = arith.select %and3A_73, %add3A_50, %scan3A_24 : vector<1x8x128xf32>
      %scan3A_75 = arith.constant 1 : i32
      %scan3A_76 = arith.addi %scan3A_21, %scan3A_75 : i32
      %get3A_77 = arith.constant 0 : index
      %get3A_78 = arith.constant 0 : index
      %get3A_79 = arith.index_cast %scan3A_76 : i32 to index
      %get3A_80 = memref.load %arg1[%get3A_77, %get3A_78, %get3A_79] : memref<1x1x2048xi32, #tpu.memory_space<smem>>
      %get3A_81 = arith.constant 0 : index
      %get3A_82 = arith.constant 0 : index
      %get3A_83 = arith.index_cast %scan3A_76 : i32 to index
      %get3A_84 = memref.load %arg2[%get3A_81, %get3A_82, %get3A_83] : memref<1x1x2048xf32, #tpu.memory_space<smem>>
      %add3A_85 = arith.addi %add3A, %get3A_80 : i32
      %sub3A_86 = arith.constant 1.000000e+00 : f32
      %sub3A_87 = arith.subf %sub3A_86, %get3A_84 : f32
      %jit3A_88 = arith.constant 0.000000e+00 : f32
      %jit3A_89 = arith.constant 1.000000e+00 : f32
      %max3A_90 = arith.maximumf %jit3A_88, %sub3A_87 : f32
      %min3A_91 = arith.minimumf %jit3A_89, %max3A_90 : f32
      %sub3A_92 = arith.constant 1.000000e+00 : f32
      %sub3A_93 = arith.subf %sub3A_92, %min3A_91 : f32
      %convert_element_type3A_94 = arith.sitofp %get3A_80 : i32 to f32
      %mul3A_95 = arith.mulf %sub3A_93, %convert_element_type3A_94 : f32
      %sub3A_96 = arith.constant 1 : i32
      %sub3A_97 = arith.subi %add3A_85, %sub3A_96 : i32
      %max3A_98 = arith.constant 0 : i32
      %max3A_99 = arith.maxsi %sub3A_97, %max3A_98 : i32
      %get3A_100 = arith.constant 0 : index
      %get3A_101 = arith.index_cast %max3A_99 : i32 to index
      %get3A_102 = arith.constant 0 : index
      %get3A_103 = arith.constant 0 : index
      %get3A_104 = vector.load %arg4[%get3A_100, %get3A_101, %get3A_102, %get3A_103] : memref<1x2048x8x128xf32, #tpu.memory_space<vmem>>, vector<1x1x8x128xf32>
      %get3A_105 = vector.shape_cast %get3A_104 : vector<1x1x8x128xf32> to vector<1x8x128xf32>
      %sub3A_106 = arith.subf %get3A_105, %add3A_50 : vector<1x8x128xf32>
      %mul3A_107 = vector.broadcast %mul3A_95 : f32 to vector<1x8x128xf32>
      %mul3A_108 = arith.mulf %mul3A_107, %sub3A_106 : vector<1x8x128xf32>
      %add3A_109 = arith.addf %add3A_50, %mul3A_108 : vector<1x8x128xf32>
      %ge3A_110 = arith.constant 1 : i32
      %ge3A_111 = arith.cmpi sge, %add3A_85, %ge3A_110 : i32
      %le3A_112 = arith.cmpi sle, %add3A_85, %get3A_2 : i32
      %and3A_113 = arith.andi %ge3A_111, %le3A_112 : i1
      %jit3A_114 = arith.constant 1.000000e+00 : f32
      %jit3A_115 = arith.constant 0.000000e+00 : f32
      %select_n3A_116 = arith.select %and3A_113, %jit3A_114, %jit3A_115 : f32
      %get3A_117 = arith.constant 0 : index
      %get3A_118 = arith.index_cast %scan3A_76 : i32 to index
      %get3A_119 = arith.constant 0 : index
      %get3A_120 = arith.constant 0 : index
      %get3A_121 = vector.load %arg5[%get3A_117, %get3A_118, %get3A_119, %get3A_120] : memref<1x2048x8x128xf32, #tpu.memory_space<vmem>>, vector<1x1x8x128xf32>
      %get3A_122 = vector.shape_cast %get3A_121 : vector<1x1x8x128xf32> to vector<1x8x128xf32>
      %mul3A_123 = vector.broadcast %select_n3A_116 : f32 to vector<1x8x128xf32>
      %mul3A_124 = arith.mulf %mul3A_123, %add3A_109 : vector<1x8x128xf32>
      %add3A_125 = arith.addf %get3A_122, %mul3A_124 : vector<1x8x128xf32>
      %swap3A_126 = arith.constant 0 : index
      %swap3A_127 = arith.index_cast %scan3A_76 : i32 to index
      %swap3A_128 = arith.constant 0 : index
      %swap3A_129 = arith.constant 0 : index
      %swap3A_130 = vector.load %arg7[%swap3A_126, %swap3A_127, %swap3A_128, %swap3A_129] : memref<1x2048x8x128xf32, #tpu.memory_space<vmem>>, vector<1x1x8x128xf32>
      %swap3A_131 = vector.shape_cast %swap3A_130 : vector<1x1x8x128xf32> to vector<1x8x128xf32>
      %swap3A_132 = vector.shape_cast %add3A_125 : vector<1x8x128xf32> to vector<1x1x8x128xf32>
      tpu.vector_store %arg7[%swap3A_126, %swap3A_127, %swap3A_128, %swap3A_129], %swap3A_132 {strides = array<i32>} : memref<1x2048x8x128xf32, #tpu.memory_space<vmem>>, vector<1x1x8x128xf32>,
      %eq3A_133 = arith.constant 1 : i32
      %eq3A_134 = arith.cmpi eq, %get3A_80, %eq3A_133 : i32
      %eq3A_135 = arith.cmpi eq, %add3A_85, %get3A_2 : i32
      %and3A_136 = arith.andi %eq3A_134, %eq3A_135 : i1
      %select_n3A_137 = arith.select %and3A_136, %add3A_109, %select_n3A_74 : vector<1x8x128xf32>
      %scan3A_138 = arith.constant 2 : i32
      %scan3A_139 = arith.addi %scan3A_21, %scan3A_138 : i32
      %get3A_140 = arith.constant 0 : index
      %get3A_141 = arith.constant 0 : index
      %get3A_142 = arith.index_cast %scan3A_139 : i32 to index
      %get3A_143 = memref.load %arg1[%get3A_140, %get3A_141, %get3A_142] : memref<1x1x2048xi32, #tpu.memory_space<smem>>
      %get3A_144 = arith.constant 0 : index
      %get3A_145 = arith.constant 0 : index
      %get3A_146 = arith.index_cast %scan3A_139 : i32 to index
      %get3A_147 = memref.load %arg2[%get3A_144, %get3A_145, %get3A_146] : memref<1x1x2048xf32, #tpu.memory_space<smem>>
      %add3A_148 = arith.addi %add3A_85, %get3A_143 : i32
      %sub3A_149 = arith.constant 1.000000e+00 : f32
      %sub3A_150 = arith.subf %sub3A_149, %get3A_147 : f32
      %jit3A_151 = arith.constant 0.000000e+00 : f32
      %jit3A_152 = arith.constant 1.000000e+00 : f32
      %max3A_153 = arith.maximumf %jit3A_151, %sub3A_150 : f32
      %min3A_154 = arith.minimumf %jit3A_152, %max3A_153 : f32
      %sub3A_155 = arith.constant 1.000000e+00 : f32
      %sub3A_156 = arith.subf %sub3A_155, %min3A_154 : f32
      %convert_element_type3A_157 = arith.sitofp %get3A_143 : i32 to f32
      %mul3A_158 = arith.mulf %sub3A_156, %convert_element_type3A_157 : f32
      %sub3A_159 = arith.constant 1 : i32
      %sub3A_160 = arith.subi %add3A_148, %sub3A_159 : i32
      %max3A_161 = arith.constant 0 : i32
      %max3A_162 = arith.maxsi %sub3A_160, %max3A_161 : i32
      %get3A_163 = arith.constant 0 : index
      %get3A_164 = arith.index_cast %max3A_162 : i32 to index
      %get3A_165 = arith.constant 0 : index
      %get3A_166 = arith.constant 0 : index
      %get3A_167 = vector.load %arg4[%get3A_163, %get3A_164, %get3A_165, %get3A_166] : memref<1x2048x8x128xf32, #tpu.memory_space<vmem>>, vector<1x1x8x128xf32>
      %get3A_168 = vector.shape_cast %get3A_167 : vector<1x1x8x128xf32> to vector<1x8x128xf32>
      %sub3A_169 = arith.subf %get3A_168, %add3A_109 : vector<1x8x128xf32>
      %mul3A_170 = vector.broadcast %mul3A_158 : f32 to vector<1x8x128xf32>
      %mul3A_171 = arith.mulf %mul3A_170, %sub3A_169 : vector<1x8x128xf32>
      %add3A_172 = arith.addf %add3A_109, %mul3A_171 : vector<1x8x128xf32>
      %ge3A_173 = arith.constant 1 : i32
      %ge3A_174 = arith.cmpi sge, %add3A_148, %ge3A_173 : i32
      %le3A_175 = arith.cmpi sle, %add3A_148, %get3A_2 : i32
      %and3A_176 = arith.andi %ge3A_174, %le3A_175 : i1
      %jit3A_177 = arith.constant 1.000000e+00 : f32
      %jit3A_178 = arith.constant 0.000000e+00 : f32
      %select_n3A_179 = arith.select %and3A_176, %jit3A_177, %jit3A_178 : f32
      %get3A_180 = arith.constant 0 : index
      %get3A_181 = arith.index_cast %scan3A_139 : i32 to index
      %get3A_182 = arith.constant 0 : index
      %get3A_183 = arith.constant 0 : index
      %get3A_184 = vector.load %arg5[%get3A_180, %get3A_181, %get3A_182, %get3A_183] : memref<1x2048x8x128xf32, #tpu.memory_space<vmem>>, vector<1x1x8x128xf32>
      %get3A_185 = vector.shape_cast %get3A_184 : vector<1x1x8x128xf32> to vector<1x8x128xf32>
      %mul3A_186 = vector.broadcast %select_n3A_179 : f32 to vector<1x8x128xf32>
      %mul3A_187 = arith.mulf %mul3A_186, %add3A_172 : vector<1x8x128xf32>
      %add3A_188 = arith.addf %get3A_185, %mul3A_187 : vector<1x8x128xf32>
      %swap3A_189 = arith.constant 0 : index
      %swap3A_190 = arith.index_cast %scan3A_139 : i32 to index
      %swap3A_191 = arith.constant 0 : index
      %swap3A_192 = arith.constant 0 : index
      %swap3A_193 = vector.load %arg7[%swap3A_189, %swap3A_190, %swap3A_191, %swap3A_192] : memref<1x2048x8x128xf32, #tpu.memory_space<vmem>>, vector<1x1x8x128xf32>
      %swap3A_194 = vector.shape_cast %swap3A_193 : vector<1x1x8x128xf32> to vector<1x8x128xf32>
      %swap3A_195 = vector.shape_cast %add3A_188 : vector<1x8x128xf32> to vector<1x1x8x128xf32>
      tpu.vector_store %arg7[%swap3A_189, %swap3A_190, %swap3A_191, %swap3A_192], %swap3A_195 {strides = array<i32>} : memref<1x2048x8x128xf32, #tpu.memory_space<vmem>>, vector<1x1x8x128xf32>,
      %eq3A_196 = arith.constant 1 : i32
      %eq3A_197 = arith.cmpi eq, %get3A_143, %eq3A_196 : i32
      %eq3A_198 = arith.cmpi eq, %add3A_148, %get3A_2 : i32
      %and3A_199 = arith.andi %eq3A_197, %eq3A_198 : i1
      %select_n3A_200 = arith.select %and3A_199, %add3A_172, %select_n3A_137 : vector<1x8x128xf32>
      %scan3A_201 = arith.constant 3 : i32
      %scan3A_202 = arith.addi %scan3A_21, %scan3A_201 : i32
      %get3A_203 = arith.constant 0 : index
      %get3A_204 = arith.constant 0 : index
      %get3A_205 = arith.index_cast %scan3A_202 : i32 to index
      %get3A_206 = memref.load %arg1[%get3A_203, %get3A_204, %get3A_205] : memref<1x1x2048xi32, #tpu.memory_space<smem>>
      %get3A_207 = arith.constant 0 : index
      %get3A_208 = arith.constant 0 : index
      %get3A_209 = arith.index_cast %scan3A_202 : i32 to index
      %get3A_210 = memref.load %arg2[%get3A_207, %get3A_208, %get3A_209] : memref<1x1x2048xf32, #tpu.memory_space<smem>>
      %add3A_211 = arith.addi %add3A_148, %get3A_206 : i32
      %sub3A_212 = arith.constant 1.000000e+00 : f32
      %sub3A_213 = arith.subf %sub3A_212, %get3A_210 : f32
      %jit3A_214 = arith.constant 0.000000e+00 : f32
      %jit3A_215 = arith.constant 1.000000e+00 : f32
      %max3A_216 = arith.maximumf %jit3A_214, %sub3A_213 : f32
      %min3A_217 = arith.minimumf %jit3A_215, %max3A_216 : f32
      %sub3A_218 = arith.constant 1.000000e+00 : f32
      %sub3A_219 = arith.subf %sub3A_218, %min3A_217 : f32
      %convert_element_type3A_220 = arith.sitofp %get3A_206 : i32 to f32
      %mul3A_221 = arith.mulf %sub3A_219, %convert_element_type3A_220 : f32
      %sub3A_222 = arith.constant 1 : i32
      %sub3A_223 = arith.subi %add3A_211, %sub3A_222 : i32
      %max3A_224 = arith.constant 0 : i32
      %max3A_225 = arith.maxsi %sub3A_223, %max3A_224 : i32
      %get3A_226 = arith.constant 0 : index
      %get3A_227 = arith.index_cast %max3A_225 : i32 to index
      %get3A_228 = arith.constant 0 : index
      %get3A_229 = arith.constant 0 : index
      %get3A_230 = vector.load %arg4[%get3A_226, %get3A_227, %get3A_228, %get3A_229] : memref<1x2048x8x128xf32, #tpu.memory_space<vmem>>, vector<1x1x8x128xf32>
      %get3A_231 = vector.shape_cast %get3A_230 : vector<1x1x8x128xf32> to vector<1x8x128xf32>
      %sub3A_232 = arith.subf %get3A_231, %add3A_172 : vector<1x8x128xf32>
      %mul3A_233 = vector.broadcast %mul3A_221 : f32 to vector<1x8x128xf32>
      %mul3A_234 = arith.mulf %mul3A_233, %sub3A_232 : vector<1x8x128xf32>
      %add3A_235 = arith.addf %add3A_172, %mul3A_234 : vector<1x8x128xf32>
      %ge3A_236 = arith.constant 1 : i32
      %ge3A_237 = arith.cmpi sge, %add3A_211, %ge3A_236 : i32
      %le3A_238 = arith.cmpi sle, %add3A_211, %get3A_2 : i32
      %and3A_239 = arith.andi %ge3A_237, %le3A_238 : i1
      %jit3A_240 = arith.constant 1.000000e+00 : f32
      %jit3A_241 = arith.constant 0.000000e+00 : f32
      %select_n3A_242 = arith.select %and3A_239, %jit3A_240, %jit3A_241 : f32
      %get3A_243 = arith.constant 0 : index
      %get3A_244 = arith.index_cast %scan3A_202 : i32 to index
      %get3A_245 = arith.constant 0 : index
      %get3A_246 = arith.constant 0 : index
      %get3A_247 = vector.load %arg5[%get3A_243, %get3A_244, %get3A_245, %get3A_246] : memref<1x2048x8x128xf32, #tpu.memory_space<vmem>>, vector<1x1x8x128xf32>
      %get3A_248 = vector.shape_cast %get3A_247 : vector<1x1x8x128xf32> to vector<1x8x128xf32>
      %mul3A_249 = vector.broadcast %select_n3A_242 : f32 to vector<1x8x128xf32>
      %mul3A_250 = arith.mulf %mul3A_249, %add3A_235 : vector<1x8x128xf32>
      %add3A_251 = arith.addf %get3A_248, %mul3A_250 : vector<1x8x128xf32>
      %swap3A_252 = arith.constant 0 : index
      %swap3A_253 = arith.index_cast %scan3A_202 : i32 to index
      %swap3A_254 = arith.constant 0 : index
      %swap3A_255 = arith.constant 0 : index
      %swap3A_256 = vector.load %arg7[%swap3A_252, %swap3A_253, %swap3A_254, %swap3A_255] : memref<1x2048x8x128xf32, #tpu.memory_space<vmem>>, vector<1x1x8x128xf32>
      %swap3A_257 = vector.shape_cast %swap3A_256 : vector<1x1x8x128xf32> to vector<1x8x128xf32>
      %swap3A_258 = vector.shape_cast %add3A_251 : vector<1x8x128xf32> to vector<1x1x8x128xf32>
      tpu.vector_store %arg7[%swap3A_252, %swap3A_253, %swap3A_254, %swap3A_255], %swap3A_258 {strides = array<i32>} : memref<1x2048x8x128xf32, #tpu.memory_space<vmem>>, vector<1x1x8x128xf32>,
      %eq3A_259 = arith.constant 1 : i32
      %eq3A_260 = arith.cmpi eq, %get3A_206, %eq3A_259 : i32
      %eq3A_261 = arith.cmpi eq, %add3A_211, %get3A_2 : i32
      %and3A_262 = arith.andi %eq3A_260, %eq3A_261 : i1
      %select_n3A_263 = arith.select %and3A_262, %add3A_235, %select_n3A_200 : vector<1x8x128xf32>
      %scan3A_264 = arith.constant 4 : i32
      %scan3A_265 = arith.addi %scan3A_21, %scan3A_264 : i32
      %get3A_266 = arith.constant 0 : index
      %get3A_267 = arith.constant 0 : index
      %get3A_268 = arith.index_cast %scan3A_265 : i32 to index
      %get3A_269 = memref.load %arg1[%get3A_266, %get3A_267, %get3A_268] : memref<1x1x2048xi32, #tpu.memory_space<smem>>
      %get3A_270 = arith.constant 0 : index
      %get3A_271 = arith.constant 0 : index
      %get3A_272 = arith.index_cast %scan3A_265 : i32 to index
      %get3A_273 = memref.load %arg2[%get3A_270, %get3A_271, %get3A_272] : memref<1x1x2048xf32, #tpu.memory_space<smem>>
      %add3A_274 = arith.addi %add3A_211, %get3A_269 : i32
      %sub3A_275 = arith.constant 1.000000e+00 : f32
      %sub3A_276 = arith.subf %sub3A_275, %get3A_273 : f32
      %jit3A_277 = arith.constant 0.000000e+00 : f32
      %jit3A_278 = arith.constant 1.000000e+00 : f32
      %max3A_279 = arith.maximumf %jit3A_277, %sub3A_276 : f32
      %min3A_280 = arith.minimumf %jit3A_278, %max3A_279 : f32
      %sub3A_281 = arith.constant 1.000000e+00 : f32
      %sub3A_282 = arith.subf %sub3A_281, %min3A_280 : f32
      %convert_element_type3A_283 = arith.sitofp %get3A_269 : i32 to f32
      %mul3A_284 = arith.mulf %sub3A_282, %convert_element_type3A_283 : f32
      %sub3A_285 = arith.constant 1 : i32
      %sub3A_286 = arith.subi %add3A_274, %sub3A_285 : i32
      %max3A_287 = arith.constant 0 : i32
      %max3A_288 = arith.maxsi %sub3A_286, %max3A_287 : i32
      %get3A_289 = arith.constant 0 : index
      %get3A_290 = arith.index_cast %max3A_288 : i32 to index
      %get3A_291 = arith.constant 0 : index
      %get3A_292 = arith.constant 0 : index
      %get3A_293 = vector.load %arg4[%get3A_289, %get3A_290, %get3A_291, %get3A_292] : memref<1x2048x8x128xf32, #tpu.memory_space<vmem>>, vector<1x1x8x128xf32>
      %get3A_294 = vector.shape_cast %get3A_293 : vector<1x1x8x128xf32> to vector<1x8x128xf32>
      %sub3A_295 = arith.subf %get3A_294, %add3A_235 : vector<1x8x128xf32>
      %mul3A_296 = vector.broadcast %mul3A_284 : f32 to vector<1x8x128xf32>
      %mul3A_297 = arith.mulf %mul3A_296, %sub3A_295 : vector<1x8x128xf32>
      %add3A_298 = arith.addf %add3A_235, %mul3A_297 : vector<1x8x128xf32>
      %ge3A_299 = arith.constant 1 : i32
      %ge3A_300 = arith.cmpi sge, %add3A_274, %ge3A_299 : i32
      %le3A_301 = arith.cmpi sle, %add3A_274, %get3A_2 : i32
      %and3A_302 = arith.andi %ge3A_300, %le3A_301 : i1
      %jit3A_303 = arith.constant 1.000000e+00 : f32
      %jit3A_304 = arith.constant 0.000000e+00 : f32
      %select_n3A_305 = arith.select %and3A_302, %jit3A_303, %jit3A_304 : f32
      %get3A_306 = arith.constant 0 : index
      %get3A_307 = arith.index_cast %scan3A_265 : i32 to index
      %get3A_308 = arith.constant 0 : index
      %get3A_309 = arith.constant 0 : index
      %get3A_310 = vector.load %arg5[%get3A_306, %get3A_307, %get3A_308, %get3A_309] : memref<1x2048x8x128xf32, #tpu.memory_space<vmem>>, vector<1x1x8x128xf32>
      %get3A_311 = vector.shape_cast %get3A_310 : vector<1x1x8x128xf32> to vector<1x8x128xf32>
      %mul3A_312 = vector.broadcast %select_n3A_305 : f32 to vector<1x8x128xf32>
      %mul3A_313 = arith.mulf %mul3A_312, %add3A_298 : vector<1x8x128xf32>
      %add3A_314 = arith.addf %get3A_311, %mul3A_313 : vector<1x8x128xf32>
      %swap3A_315 = arith.constant 0 : index
      %swap3A_316 = arith.index_cast %scan3A_265 : i32 to index
      %swap3A_317 = arith.constant 0 : index
      %swap3A_318 = arith.constant 0 : index
      %swap3A_319 = vector.load %arg7[%swap3A_315, %swap3A_316, %swap3A_317, %swap3A_318] : memref<1x2048x8x128xf32, #tpu.memory_space<vmem>>, vector<1x1x8x128xf32>
      %swap3A_320 = vector.shape_cast %swap3A_319 : vector<1x1x8x128xf32> to vector<1x8x128xf32>
      %swap3A_321 = vector.shape_cast %add3A_314 : vector<1x8x128xf32> to vector<1x1x8x128xf32>
      tpu.vector_store %arg7[%swap3A_315, %swap3A_316, %swap3A_317, %swap3A_318], %swap3A_321 {strides = array<i32>} : memref<1x2048x8x128xf32, #tpu.memory_space<vmem>>, vector<1x1x8x128xf32>,
      %eq3A_322 = arith.constant 1 : i32
      %eq3A_323 = arith.cmpi eq, %get3A_269, %eq3A_322 : i32
      %eq3A_324 = arith.cmpi eq, %add3A_274, %get3A_2 : i32
      %and3A_325 = arith.andi %eq3A_323, %eq3A_324 : i1
      %select_n3A_326 = arith.select %and3A_325, %add3A_298, %select_n3A_263 : vector<1x8x128xf32>
      %scan3A_327 = arith.constant 5 : i32
      %scan3A_328 = arith.addi %scan3A_21, %scan3A_327 : i32
      %get3A_329 = arith.constant 0 : index
      %get3A_330 = arith.constant 0 : index
      %get3A_331 = arith.index_cast %scan3A_328 : i32 to index
      %get3A_332 = memref.load %arg1[%get3A_329, %get3A_330, %get3A_331] : memref<1x1x2048xi32, #tpu.memory_space<smem>>
      %get3A_333 = arith.constant 0 : index
      %get3A_334 = arith.constant 0 : index
      %get3A_335 = arith.index_cast %scan3A_328 : i32 to index
      %get3A_336 = memref.load %arg2[%get3A_333, %get3A_334, %get3A_335] : memref<1x1x2048xf32, #tpu.memory_space<smem>>
      %add3A_337 = arith.addi %add3A_274, %get3A_332 : i32
      %sub3A_338 = arith.constant 1.000000e+00 : f32
      %sub3A_339 = arith.subf %sub3A_338, %get3A_336 : f32
      %jit3A_340 = arith.constant 0.000000e+00 : f32
      %jit3A_341 = arith.constant 1.000000e+00 : f32
      %max3A_342 = arith.maximumf %jit3A_340, %sub3A_339 : f32
      %min3A_343 = arith.minimumf %jit3A_341, %max3A_342 : f32
      %sub3A_344 = arith.constant 1.000000e+00 : f32
      %sub3A_345 = arith.subf %sub3A_344, %min3A_343 : f32
      %convert_element_type3A_346 = arith.sitofp %get3A_332 : i32 to f32
      %mul3A_347 = arith.mulf %sub3A_345, %convert_element_type3A_346 : f32
      %sub3A_348 = arith.constant 1 : i32
      %sub3A_349 = arith.subi %add3A_337, %sub3A_348 : i32
      %max3A_350 = arith.constant 0 : i32
      %max3A_351 = arith.maxsi %sub3A_349, %max3A_350 : i32
      %get3A_352 = arith.constant 0 : index
      %get3A_353 = arith.index_cast %max3A_351 : i32 to index
      %get3A_354 = arith.constant 0 : index
      %get3A_355 = arith.constant 0 : index
      %get3A_356 = vector.load %arg4[%get3A_352, %get3A_353, %get3A_354, %get3A_355] : memref<1x2048x8x128xf32, #tpu.memory_space<vmem>>, vector<1x1x8x128xf32>
      %get3A_357 = vector.shape_cast %get3A_356 : vector<1x1x8x128xf32> to vector<1x8x128xf32>
      %sub3A_358 = arith.subf %get3A_357, %add3A_298 : vector<1x8x128xf32>
      %mul3A_359 = vector.broadcast %mul3A_347 : f32 to vector<1x8x128xf32>
      %mul3A_360 = arith.mulf %mul3A_359, %sub3A_358 : vector<1x8x128xf32>
      %add3A_361 = arith.addf %add3A_298, %mul3A_360 : vector<1x8x128xf32>
      %ge3A_362 = arith.constant 1 : i32
      %ge3A_363 = arith.cmpi sge, %add3A_337, %ge3A_362 : i32
      %le3A_364 = arith.cmpi sle, %add3A_337, %get3A_2 : i32
      %and3A_365 = arith.andi %ge3A_363, %le3A_364 : i1
      %jit3A_366 = arith.constant 1.000000e+00 : f32
      %jit3A_367 = arith.constant 0.000000e+00 : f32
      %select_n3A_368 = arith.select %and3A_365, %jit3A_366, %jit3A_367 : f32
      %get3A_369 = arith.constant 0 : index
      %get3A_370 = arith.index_cast %scan3A_328 : i32 to index
      %get3A_371 = arith.constant 0 : index
      %get3A_372 = arith.constant 0 : index
      %get3A_373 = vector.load %arg5[%get3A_369, %get3A_370, %get3A_371, %get3A_372] : memref<1x2048x8x128xf32, #tpu.memory_space<vmem>>, vector<1x1x8x128xf32>
      %get3A_374 = vector.shape_cast %get3A_373 : vector<1x1x8x128xf32> to vector<1x8x128xf32>
      %mul3A_375 = vector.broadcast %select_n3A_368 : f32 to vector<1x8x128xf32>
      %mul3A_376 = arith.mulf %mul3A_375, %add3A_361 : vector<1x8x128xf32>
      %add3A_377 = arith.addf %get3A_374, %mul3A_376 : vector<1x8x128xf32>
      %swap3A_378 = arith.constant 0 : index
      %swap3A_379 = arith.index_cast %scan3A_328 : i32 to index
      %swap3A_380 = arith.constant 0 : index
      %swap3A_381 = arith.constant 0 : index
      %swap3A_382 = vector.load %arg7[%swap3A_378, %swap3A_379, %swap3A_380, %swap3A_381] : memref<1x2048x8x128xf32, #tpu.memory_space<vmem>>, vector<1x1x8x128xf32>
      %swap3A_383 = vector.shape_cast %swap3A_382 : vector<1x1x8x128xf32> to vector<1x8x128xf32>
      %swap3A_384 = vector.shape_cast %add3A_377 : vector<1x8x128xf32> to vector<1x1x8x128xf32>
      tpu.vector_store %arg7[%swap3A_378, %swap3A_379, %swap3A_380, %swap3A_381], %swap3A_384 {strides = array<i32>} : memref<1x2048x8x128xf32, #tpu.memory_space<vmem>>, vector<1x1x8x128xf32>,
      %eq3A_385 = arith.constant 1 : i32
      %eq3A_386 = arith.cmpi eq, %get3A_332, %eq3A_385 : i32
      %eq3A_387 = arith.cmpi eq, %add3A_337, %get3A_2 : i32
      %and3A_388 = arith.andi %eq3A_386, %eq3A_387 : i1
      %select_n3A_389 = arith.select %and3A_388, %add3A_361, %select_n3A_326 : vector<1x8x128xf32>
      %scan3A_390 = arith.constant 6 : i32
      %scan3A_391 = arith.addi %scan3A_21, %scan3A_390 : i32
      %get3A_392 = arith.constant 0 : index
      %get3A_393 = arith.constant 0 : index
      %get3A_394 = arith.index_cast %scan3A_391 : i32 to index
      %get3A_395 = memref.load %arg1[%get3A_392, %get3A_393, %get3A_394] : memref<1x1x2048xi32, #tpu.memory_space<smem>>
      %get3A_396 = arith.constant 0 : index
      %get3A_397 = arith.constant 0 : index
      %get3A_398 = arith.index_cast %scan3A_391 : i32 to index
      %get3A_399 = memref.load %arg2[%get3A_396, %get3A_397, %get3A_398] : memref<1x1x2048xf32, #tpu.memory_space<smem>>
      %add3A_400 = arith.addi %add3A_337, %get3A_395 : i32
      %sub3A_401 = arith.constant 1.000000e+00 : f32
      %sub3A_402 = arith.subf %sub3A_401, %get3A_399 : f32
      %jit3A_403 = arith.constant 0.000000e+00 : f32
      %jit3A_404 = arith.constant 1.000000e+00 : f32
      %max3A_405 = arith.maximumf %jit3A_403, %sub3A_402 : f32
      %min3A_406 = arith.minimumf %jit3A_404, %max3A_405 : f32
      %sub3A_407 = arith.constant 1.000000e+00 : f32
      %sub3A_408 = arith.subf %sub3A_407, %min3A_406 : f32
      %convert_element_type3A_409 = arith.sitofp %get3A_395 : i32 to f32
      %mul3A_410 = arith.mulf %sub3A_408, %convert_element_type3A_409 : f32
      %sub3A_411 = arith.constant 1 : i32
      %sub3A_412 = arith.subi %add3A_400, %sub3A_411 : i32
      %max3A_413 = arith.constant 0 : i32
      %max3A_414 = arith.maxsi %sub3A_412, %max3A_413 : i32
      %get3A_415 = arith.constant 0 : index
      %get3A_416 = arith.index_cast %max3A_414 : i32 to index
      %get3A_417 = arith.constant 0 : index
      %get3A_418 = arith.constant 0 : index
      %get3A_419 = vector.load %arg4[%get3A_415, %get3A_416, %get3A_417, %get3A_418] : memref<1x2048x8x128xf32, #tpu.memory_space<vmem>>, vector<1x1x8x128xf32>
      %get3A_420 = vector.shape_cast %get3A_419 : vector<1x1x8x128xf32> to vector<1x8x128xf32>
      %sub3A_421 = arith.subf %get3A_420, %add3A_361 : vector<1x8x128xf32>
      %mul3A_422 = vector.broadcast %mul3A_410 : f32 to vector<1x8x128xf32>
      %mul3A_423 = arith.mulf %mul3A_422, %sub3A_421 : vector<1x8x128xf32>
      %add3A_424 = arith.addf %add3A_361, %mul3A_423 : vector<1x8x128xf32>
      %ge3A_425 = arith.constant 1 : i32
      %ge3A_426 = arith.cmpi sge, %add3A_400, %ge3A_425 : i32
      %le3A_427 = arith.cmpi sle, %add3A_400, %get3A_2 : i32
      %and3A_428 = arith.andi %ge3A_426, %le3A_427 : i1
      %jit3A_429 = arith.constant 1.000000e+00 : f32
      %jit3A_430 = arith.constant 0.000000e+00 : f32
      %select_n3A_431 = arith.select %and3A_428, %jit3A_429, %jit3A_430 : f32
      %get3A_432 = arith.constant 0 : index
      %get3A_433 = arith.index_cast %scan3A_391 : i32 to index
      %get3A_434 = arith.constant 0 : index
      %get3A_435 = arith.constant 0 : index
      %get3A_436 = vector.load %arg5[%get3A_432, %get3A_433, %get3A_434, %get3A_435] : memref<1x2048x8x128xf32, #tpu.memory_space<vmem>>, vector<1x1x8x128xf32>
      %get3A_437 = vector.shape_cast %get3A_436 : vector<1x1x8x128xf32> to vector<1x8x128xf32>
      %mul3A_438 = vector.broadcast %select_n3A_431 : f32 to vector<1x8x128xf32>
      %mul3A_439 = arith.mulf %mul3A_438, %add3A_424 : vector<1x8x128xf32>
      %add3A_440 = arith.addf %get3A_437, %mul3A_439 : vector<1x8x128xf32>
      %swap3A_441 = arith.constant 0 : index
      %swap3A_442 = arith.index_cast %scan3A_391 : i32 to index
      %swap3A_443 = arith.constant 0 : index
      %swap3A_444 = arith.constant 0 : index
      %swap3A_445 = vector.load %arg7[%swap3A_441, %swap3A_442, %swap3A_443, %swap3A_444] : memref<1x2048x8x128xf32, #tpu.memory_space<vmem>>, vector<1x1x8x128xf32>
      %swap3A_446 = vector.shape_cast %swap3A_445 : vector<1x1x8x128xf32> to vector<1x8x128xf32>
      %swap3A_447 = vector.shape_cast %add3A_440 : vector<1x8x128xf32> to vector<1x1x8x128xf32>
      tpu.vector_store %arg7[%swap3A_441, %swap3A_442, %swap3A_443, %swap3A_444], %swap3A_447 {strides = array<i32>} : memref<1x2048x8x128xf32, #tpu.memory_space<vmem>>, vector<1x1x8x128xf32>,
      %eq3A_448 = arith.constant 1 : i32
      %eq3A_449 = arith.cmpi eq, %get3A_395, %eq3A_448 : i32
      %eq3A_450 = arith.cmpi eq, %add3A_400, %get3A_2 : i32
      %and3A_451 = arith.andi %eq3A_449, %eq3A_450 : i1
      %select_n3A_452 = arith.select %and3A_451, %add3A_424, %select_n3A_389 : vector<1x8x128xf32>
      %scan3A_453 = arith.constant 7 : i32
      %scan3A_454 = arith.addi %scan3A_21, %scan3A_453 : i32
      %get3A_455 = arith.constant 0 : index
      %get3A_456 = arith.constant 0 : index
      %get3A_457 = arith.index_cast %scan3A_454 : i32 to index
      %get3A_458 = memref.load %arg1[%get3A_455, %get3A_456, %get3A_457] : memref<1x1x2048xi32, #tpu.memory_space<smem>>
      %get3A_459 = arith.constant 0 : index
      %get3A_460 = arith.constant 0 : index
      %get3A_461 = arith.index_cast %scan3A_454 : i32 to index
      %get3A_462 = memref.load %arg2[%get3A_459, %get3A_460, %get3A_461] : memref<1x1x2048xf32, #tpu.memory_space<smem>>
      %add3A_463 = arith.addi %add3A_400, %get3A_458 : i32
      %sub3A_464 = arith.constant 1.000000e+00 : f32
      %sub3A_465 = arith.subf %sub3A_464, %get3A_462 : f32
      %jit3A_466 = arith.constant 0.000000e+00 : f32
      %jit3A_467 = arith.constant 1.000000e+00 : f32
      %max3A_468 = arith.maximumf %jit3A_466, %sub3A_465 : f32
      %min3A_469 = arith.minimumf %jit3A_467, %max3A_468 : f32
      %sub3A_470 = arith.constant 1.000000e+00 : f32
      %sub3A_471 = arith.subf %sub3A_470, %min3A_469 : f32
      %convert_element_type3A_472 = arith.sitofp %get3A_458 : i32 to f32
      %mul3A_473 = arith.mulf %sub3A_471, %convert_element_type3A_472 : f32
      %sub3A_474 = arith.constant 1 : i32
      %sub3A_475 = arith.subi %add3A_463, %sub3A_474 : i32
      %max3A_476 = arith.constant 0 : i32
      %max3A_477 = arith.maxsi %sub3A_475, %max3A_476 : i32
      %get3A_478 = arith.constant 0 : index
      %get3A_479 = arith.index_cast %max3A_477 : i32 to index
      %get3A_480 = arith.constant 0 : index
      %get3A_481 = arith.constant 0 : index
      %get3A_482 = vector.load %arg4[%get3A_478, %get3A_479, %get3A_480, %get3A_481] : memref<1x2048x8x128xf32, #tpu.memory_space<vmem>>, vector<1x1x8x128xf32>
      %get3A_483 = vector.shape_cast %get3A_482 : vector<1x1x8x128xf32> to vector<1x8x128xf32>
      %sub3A_484 = arith.subf %get3A_483, %add3A_424 : vector<1x8x128xf32>
      %mul3A_485 = vector.broadcast %mul3A_473 : f32 to vector<1x8x128xf32>
      %mul3A_486 = arith.mulf %mul3A_485, %sub3A_484 : vector<1x8x128xf32>
      %add3A_487 = arith.addf %add3A_424, %mul3A_486 : vector<1x8x128xf32>
      %ge3A_488 = arith.constant 1 : i32
      %ge3A_489 = arith.cmpi sge, %add3A_463, %ge3A_488 : i32
      %le3A_490 = arith.cmpi sle, %add3A_463, %get3A_2 : i32
      %and3A_491 = arith.andi %ge3A_489, %le3A_490 : i1
      %jit3A_492 = arith.constant 1.000000e+00 : f32
      %jit3A_493 = arith.constant 0.000000e+00 : f32
      %select_n3A_494 = arith.select %and3A_491, %jit3A_492, %jit3A_493 : f32
      %get3A_495 = arith.constant 0 : index
      %get3A_496 = arith.index_cast %scan3A_454 : i32 to index
      %get3A_497 = arith.constant 0 : index
      %get3A_498 = arith.constant 0 : index
      %get3A_499 = vector.load %arg5[%get3A_495, %get3A_496, %get3A_497, %get3A_498] : memref<1x2048x8x128xf32, #tpu.memory_space<vmem>>, vector<1x1x8x128xf32>
      %get3A_500 = vector.shape_cast %get3A_499 : vector<1x1x8x128xf32> to vector<1x8x128xf32>
      %mul3A_501 = vector.broadcast %select_n3A_494 : f32 to vector<1x8x128xf32>
      %mul3A_502 = arith.mulf %mul3A_501, %add3A_487 : vector<1x8x128xf32>
      %add3A_503 = arith.addf %get3A_500, %mul3A_502 : vector<1x8x128xf32>
      %swap3A_504 = arith.constant 0 : index
      %swap3A_505 = arith.index_cast %scan3A_454 : i32 to index
      %swap3A_506 = arith.constant 0 : index
      %swap3A_507 = arith.constant 0 : index
      %swap3A_508 = vector.load %arg7[%swap3A_504, %swap3A_505, %swap3A_506, %swap3A_507] : memref<1x2048x8x128xf32, #tpu.memory_space<vmem>>, vector<1x1x8x128xf32>
      %swap3A_509 = vector.shape_cast %swap3A_508 : vector<1x1x8x128xf32> to vector<1x8x128xf32>
      %swap3A_510 = vector.shape_cast %add3A_503 : vector<1x8x128xf32> to vector<1x1x8x128xf32>
      tpu.vector_store %arg7[%swap3A_504, %swap3A_505, %swap3A_506, %swap3A_507], %swap3A_510 {strides = array<i32>} : memref<1x2048x8x128xf32, #tpu.memory_space<vmem>>, vector<1x1x8x128xf32>,
      %eq3A_511 = arith.constant 1 : i32
      %eq3A_512 = arith.cmpi eq, %get3A_458, %eq3A_511 : i32
      %eq3A_513 = arith.cmpi eq, %add3A_463, %get3A_2 : i32
      %and3A_514 = arith.andi %eq3A_512, %eq3A_513 : i1
      %select_n3A_515 = arith.select %and3A_514, %add3A_487, %select_n3A_452 : vector<1x8x128xf32>
      scf.yield %add3A_463, %add3A_487, %select_n3A_515 : i32, vector<1x8x128xf32>, vector<1x8x128xf32>
    }
    %scan3A_14 = arith.constant 2048 : i32
    %gt3A = arith.cmpi sgt, %get3A_2, %scan3A_13#0 : i32
    %select_n3A = arith.select %gt3A, %scan3A_13#1, %scan3A_13#2 : vector<1x8x128xf32>
    %swap3A = arith.constant 0 : index
    %swap3A_15 = arith.constant 0 : index
    %swap3A_16 = arith.constant 0 : index
    %swap3A_17 = arith.constant 0 : index
    %swap3A_18 = vector.load %arg8[%swap3A, %swap3A_15, %swap3A_16, %swap3A_17] : memref<1x1x8x128xf32, #tpu.memory_space<vmem>>, vector<1x1x8x128xf32>
    %swap3A_19 = vector.shape_cast %swap3A_18 : vector<1x1x8x128xf32> to vector<1x8x128xf32>
    %swap3A_20 = vector.shape_cast %select_n3A : vector<1x8x128xf32> to vector<1x1x8x128xf32>
    tpu.vector_store %arg8[%swap3A, %swap3A_15, %swap3A_16, %swap3A_17], %swap3A_20 {strides = array<i32>} : memref<1x1x8x128xf32, #tpu.memory_space<vmem>>, vector<1x1x8x128xf32>,
    return
  }
  func.func @transform_0(%arg0: i32) -> (i32, i32, i32) {
    %c0_i32 = arith.constant 0 : i32
    %c0_i32_0 = arith.constant 0 : i32
    %c0_i32_1 = arith.constant 0 : i32
    return %arg0, %c0_i32, %c0_i32_0 : i32, i32, i32
  }
  func.func @transform_1(%arg0: i32) -> (i32, i32, i32) {
    %c0_i32 = arith.constant 0 : i32
    %c0_i32_0 = arith.constant 0 : i32
    %c0_i32_1 = arith.constant 0 : i32
    return %arg0, %c0_i32, %c0_i32_0 : i32, i32, i32
  }
  func.func @transform_2(%arg0: i32) -> (i32, i32, i32) {
    %c0_i32 = arith.constant 0 : i32
    %c0_i32_0 = arith.constant 0 : i32
    %c0_i32_1 = arith.constant 0 : i32
    return %arg0, %c0_i32, %c0_i32_0 : i32, i32, i32
  }
  func.func @transform_3(%arg0: i32) -> (i32, i32, i32, i32) {
    %c0_i32 = arith.constant 0 : i32
    %c0_i32_0 = arith.constant 0 : i32
    %c0_i32_1 = arith.constant 0 : i32
    %c0_i32_2 = arith.constant 0 : i32
    return %arg0, %c0_i32, %c0_i32_0, %c0_i32_1 : i32, i32, i32, i32
  }
  func.func @transform_4(%arg0: i32) -> (i32, i32, i32, i32) {
    %c0_i32 = arith.constant 0 : i32
    %c0_i32_0 = arith.constant 0 : i32
    %c0_i32_1 = arith.constant 0 : i32
    %c0_i32_2 = arith.constant 0 : i32
    return %arg0, %c0_i32, %c0_i32_0, %c0_i32_1 : i32, i32, i32, i32
  }
  func.func @transform_5(%arg0: i32) -> (i32, i32, i32, i32) {
    %c0_i32 = arith.constant 0 : i32
    %c0_i32_0 = arith.constant 0 : i32
    %c0_i32_1 = arith.constant 0 : i32
    %c0_i32_2 = arith.constant 0 : i32
    return %arg0, %c0_i32, %c0_i32_0, %c0_i32_1 : i32, i32, i32, i32
  }
  func.func @transform_6(%arg0: i32) -> (i32, i32, i32, i32) {
    %c0_i32 = arith.constant 0 : i32
    %c0_i32_0 = arith.constant 0 : i32
    %c0_i32_1 = arith.constant 0 : i32
    %c0_i32_2 = arith.constant 0 : i32
    return %arg0, %c0_i32, %c0_i32_0, %c0_i32_1 : i32, i32, i32, i32
  }
  func.func @transform_7(%arg0: i32) -> (i32, i32, i32, i32) {
    %c0_i32 = arith.constant 0 : i32
    %c0_i32_0 = arith.constant 0 : i32
    %c0_i32_1 = arith.constant 0 : i32
    %c0_i32_2 = arith.constant 0 : i32
    return %arg0, %c0_i32, %c0_i32_0, %c0_i32_1 : i32, i32, i32, i32
  }
}

</mosaic_0001>

<sc_bundles>
// kernel: sparse-core-data-format-call.1.cloned.1.call-start
scs
called_computation.1_lowered:
.L_overlay_start_0:
0x0: {  	s2 =	sld [smem:$0x3FD9]  }
0x1: {  	s3 =	sld [smem:$0x3FFE];
	_ =	sdelay $0x1  }
0x2: {  	s1 =	srdreg.scid  }
0x3: {  	s0 =	sand.u32 $0x1, s1  }
0x4: {  	s18 =	sshll.u32 s0, $0xA;
	s2 =	sadd.s32 s3, s2  }
0x5: {  	s2 =	sadd.s32 s2, s18  }
0x6: {  	[smem:$0x3FC2] =	sst s2  }
0x7: {  	_ = 	snop  }
0x8: {  	s2 =	sld [smem:$0x3FC9];
	(tm) =	ssettm $0x1  }
0x9: {  	s19 =	sld [smem:$0x3FFB];
	_ =	sdelay $0x3  }
0xa: {  	_ =	strace s19  }
0xb: {  	s3 =	sld [smem:$0x3FFC];
	_ =	sdelay $0x3  }
0xc: {  	_ =	strace s3  }
0xd: {  	s3 =	sld [smem:$0x3FFD];
	_ =	sdelay $0x3  }
0xe: {  	_ =	strace s3  }
0xf: {  	_ =	strace $0x8FFFFFFF  }
0x10: {  	s20 =	sld [smem:$0x3FDB];
	_ =	sdelay $0x1  }
0x11: {  	s4 =	simm.s32 $_scs_section_size  }
0x12: {  	s5 =	simm.s32 $_size__tile_overlayer_lowered;
	s6 =	simm.s32 $_tile_overlayer_lowered  }
0x13: {  	s23 =	simm.s32 $0x1BFF;
	s22 =	sshll.u32 s6, $0x1;
	s3 =	sadd.s32 s4, s20  }
0x14: {  	s7 =	simm.s32 $0x0;
	s21 =	sshll.u32 s5, $0x1;
	s5 =	sadd.s32 s22, s3  }
0x15: {  	[timem:s7], [sflag:s23] =	dma.local [hbm:s5], s21  }
0x16: {  	_ =	swait.ge [sflag:s23], s21  }
0x17: {  	s4 =	ssub.s32 $0x0, s21;
	[sflag:s23] =	ssyncset.done $0x0  }
0x18: {  	[sflag:s23] =	ssyncadd.s32 s4;
	_ =	sdelay $0x1  }
0x19: {  	s24 =	simm.s32 $0x1B8B  }
0x1a: {  	_ =	swait.ge [sflag:s24], $0x1  }
0x1b: {  	[sflag:s24] =	ssyncset.done $0x0  }
0x1c: {  	s26 =	simm.s32 $0x1B8E;
	s25 =	sld [smem:$0x3FFE];
	[sflag:s24] =	ssyncadd.s32 $0xFFFFFFFF  }
0x1d: {  	s27 =	simm.s32 $execute0_lowered;
	[smem:$0x3FD2] =	sst s26  }
0x1e: {  	s5 =	sshll.u32 s27, $0x1;
	_ =	strace $0x80000046;
	[dreg:$0x1] =	wrdreg $0xFFFFFFFF  }
0x1f: {  	s28 =	simm.s32 $_size_execute0_lowered;
	s3 =	sadd.s32 s3, s5;
	[dreg:$0x0] =	wrdreg $0x0  }
0x20: {  	s5 =	sshll.u32 s28, $0x1;
	[dreg:$0x2] =	wrdreg s3  }
0x21: {  	[dreg:$0x3] =	wrdreg s5  }
0x22: {  	[dreg:$0x4] =	wrdreg $0xC0  }
0x23: {  	_ =	task [dreg:s7], $0x5FFFF  }
0x24: {  	[dreg:$0x1] =	wrdreg $0xFFFFFFFF  }
0x25: {  	[dreg:$0x0] =	wrdreg $0x60  }
0x26: {  	[dreg:$0x2] =	wrdreg s2  }
0x27: {  	[dreg:$0x3] =	wrdreg s25  }
0x28: {  	[dreg:$0x4] =	wrdreg $0xA  }
0x29: {  	_ =	task.clear_ibuf [dreg:s7], $0x5FFFF;
	_ =	strace $0x90000046  }
0x2a: {  	s29 =	simm.s32 $0xA;
	_ =	strace $0x80000048  }
0x2b: {  	_ =	swait.ge [sflag:s29], $0x1  }
0x2c: {  	[sflag:s29] =	ssyncadd.s32 $0xFFFFFFFF  }
0x2d: {  	_ =	strace $0x90000048  }
0x2e: {  	_ =	sfence  }
0x2f: {  	s30 =	sld [smem:$0x0];
	_ =	sdelay $0x2  }
0x30: {  	s31 =	sshll.u32 s1, $0xD;
	s1 =	sshrl.u32 s1, $0x2  }
0x31: {  	s3 =	sand.u32 $0x4000, s31;
	s1 =	sadd.s32 s1, s30  }
0x32: {  	s0 =	sor.u32 s3, s0;
	s1 =	sshll.u32 s1, $0x11  }
0x33: {  	s0 =	sor.u32 s1, s0  }
0x34: {  	s0 =	sadd.s32 $0x8F2B, s0  }
0x35: {  	[sflag:s0] =	ssyncadd.remote.s32 $0x1  }
0x36: {  	_ =	sfence.sel $0xFFFF  }
0x37: {  	[dreg:$0x0] =	wrdreg $0xFFFFFFFF;
	(pc) =	sbr.abs _section_cstart, $3  }
0x38: {  	[dreg:$0x1] =	wrdreg $0xFFFFFFFF  }
0x39: {  	_ =	task.clear_ibuf [dreg:s7], $0x2FFFF;
	_ =	strace $0x9FFFFFFF  }
0x3a: {  	(tm) =	ssettm $0x7FFFFFFF  }
0x3b: {  	_ =	shalt  }
tec
execute0_lowered:
.L_overlay_start_1:
0x0: {  	(tag) =	ssettag $0x1  }
0x1: {  	s0 =	srdreg.scid  }
0x2: {  	s1 =	sshll.u32 s0, $0x4  }
0x3: {  	s2 =	rddreg [dreg:$0x0];
	s0 =	stileid.u32;
	s1 =	sand.u32 $0x10, s1  }
0x4: {  	s4 =	rddreg [dreg:$0x1];
	s7 =	simm.s32 $0x1;
	s1 =	sor.u32 s0, s1  }
0x5: {  	s8 =	simm.s32 $0x2;
	s9 =	simm.s32 $0x0;
	s3 =	sshll.u32 s1, $0x1  }
0x6: {  	s12 =	simm.s32 $0x0;
	s11 =	simm.s32 $0x0;
	s6 =	ssub.s32 $0x800, s3  }
.Ltmp0:
0x7: {  	s4 =	sadd.s32 $0x1400, s4;
	s5 =	sand.u32 $0x3E, s6;
	(pc) =	sbr.rel .LBB1_1-.Ltmp0, $4  }
0x8: {  	s1 =	rddreg [dreg:$0x2];
	_ =	strace $0x80000047;
	p0 =	sne.s32 s5, $0x0  }
0x9: {  	s6 =	sshrl.u32 s6, $0x6;
	s5 =	simm.s32 $0x1;
	s7 =	simm.s32 @!p0 $0x0  }
0xa: {  	s10 =	smov.u32 s3;
	[sflag:s5] =	ssyncpa.u1 $0x0;
	s6 =	sadd.s32 s7, s6  }
0xb: {  	[sflag:s8] =	ssyncpa.u1 $0x0;
	s8 =	simm.s32 $0x0;
	s7 =	sadd.s32 $0x1, s6  }
.LBB1_9:
0xc: {  	s14 =	sadd.s32 $0x40, s10  }
0xd: {  	p1 =	sgt.s32 s14, $0x7FF  }
0xe: {  	s14 =	smov.u32 @p1 s3;
	p1 =	sne.s32 s11, s7  }
.Ltmp1:
0xf: {  	p0 =	slt.u32 s11, $0x2;
	(pc) =	sbr.rel @!p1 .LBB1_10-.Ltmp1, $4  }
0x10: {  	s13 =	simm.s32 @!p0 $0x2  }
0x11: {  	s15 =	sadd.s32 $0x1, s11;
	_ =	swait.ge @!p0 [sflag:s13], $0x4000  }
0x12: {  	s12 =	smov.u32 s10;
	s9 =	sadd.s32 $0x4000, s9;
	[sflag:s13] =	ssyncset.done @!p0 $0x0  }
0x13: {  	s11 =	smov.u32 s15;
	s10 =	smov.u32 s14;
	[sflag:s13] =	ssyncadd.s32 @!p0 $0xFFFFC000  }
.LBB1_1:
0x14: {  	p0 =	sge.u32 s11, s6  }
0x15: {  	s13 =	sxor.u32 @!p0 $0xFFFFFFFF, s11  }
0x16: {  	s31 =	sadd.s32 $0xFFFFFFFF, s11;
	s14 =	sshll.u32 @!p0 s10, $0xA;
	s13 =	sshll.u32 @!p0 s13, $0xE  }
0x17: {  	s15 =	simm.s32 @!p0 $0x0;
	s14 =	sadd.s32 @!p0 s2, s14;
	s13 =	sand.u32 @!p0 $0x4000, s13  }
0x18: {  	[tilespmem:s13], [sflag:$0x1] =	stream.linear.gather @!p0 [hbm4b:s14+s15], $0x4000, $0x38;
	[tilespmem:$0x10000] =	vst v63  }
0x19: {  	p0 =	sge.u32 s31, s6  }
.Ltmp2:
0x1a: {  	_ = 	snop;
	(pc) =	sbr.rel @p0 .LBB1_9-.Ltmp2, $1  }
0x1b: {  	_ =	sdelay $0x3  }
0x1c: {  	s13 =	sshll.u32 s9, $0x2  }
0x1d: {  	_ =	swait.ge [sflag:s5], $0x4000;
	s14 =	sshll.u32 s11, $0xE;
	s16 =	simm.s32 $0x0  }
0x1e: {  	p1 =	por $0x1, $0x1;
	s13 =	sand.u32 $0x10000, s13;
	[sflag:s5] =	ssyncset.done $0x0  }
0x1f: {  	s14 =	sand.u32 $0x4000, s14;
	s15 =	sshrl.u32 s13, $0x2;
	[sflag:s5] =	ssyncadd.s32 $0xFFFFC000  }
0x20: {  	s13 =	sor.u32 $0x8000, s14;
	s14 =	sadd.s32 $0x8040, s15;
	s15 =	sadd.s32 $0x40, s15  }
.LBB1_3:
0x21: {  	s16 =	sshll.u32 s16, $0x2  }
0x22: {  	p0 =	por p1, p1;
	s17 =	sshra.s32 s16, $0x2  }
0x23: {  	s18 =	simm.s32 $0x0;
	s16 =	sadd.s32 s17, s14;
	s17 =	sadd.s32 s17, s15  }
.LBB1_4:
0x24: {  	v0 =	vmov s17;
	_ =	sdelay $0x3  }
0x25: {  	s20 =	simm.s32 $0x0  }
0x26: {  	v6 =	vld.idx.msk [tilespmem:v0+s20+$0x30 ss:$0x1], $0xffff  }
0x27: {  	v7 =	vld.idx.msk [tilespmem:v0+s20+$0xFFFFFFC0 ss:$0x1], $0xffff  }
0x28: {  	v5 =	vld.idx.msk [tilespmem:v0+s20+$0xFFFFFFD0 ss:$0x1], $0xffff  }
0x29: {  	v4 =	vld.idx.msk [tilespmem:v0+s20+$0xFFFFFFE0 ss:$0x1], $0xffff  }
0x2a: {  	v3 =	vld.idx.msk [tilespmem:v0+s20+$0xFFFFFFF0 ss:$0x1], $0xffff  }
0x2b: {  	v1 =	vld.idx.msk [tilespmem:v0+s20+$0x0 ss:$0x1], $0xffff  }
0x2c: {  	v2 =	vld.idx.msk [tilespmem:v0+s20+$0x10 ss:$0x1], $0xffff;
	[tilespmem:s16+$0x30] =	vst v6  }
0x2d: {  	s19 =	simm.s32 $0x80;
	s21 =	simm.s32 $0x400;
	[tilespmem:s16+$0xFFFFFFC0] =	vst v7;
	v6 =	vld.idx.msk [tilespmem:v0+s20+$0x20 ss:$0x1], $0xffff;
	s20 =	smov.u32 s16  }
.LBB1_5:
0x2e: {  	p1 =	sne.s32 s21, $0xE00;
	v7 =	vld.idx.msk [tilespmem:v0+s19+$0x30 ss:$0x1], $0xffff;
	[tilespmem:s20+$0xFFFFFFD0] =	vst v5  }
0x2f: {  	v8 =	vld.idx.msk [tilespmem:v0+s19+$0xFFFFFFC0 ss:$0x1], $0xffff;
	[tilespmem:s20+$0xFFFFFFE0] =	vst v4  }
0x30: {  	v5 =	vld.idx.msk [tilespmem:v0+s19+$0xFFFFFFD0 ss:$0x1], $0xffff;
	[tilespmem:s20+$0xFFFFFFF0] =	vst v3  }
.Ltmp3:
0x31: {  	v4 =	vld.idx.msk [tilespmem:v0+s19+$0xFFFFFFE0 ss:$0x1], $0xffff;
	[tilespmem:s20+$0x0] =	vst v1;
	(pc) =	sbr.rel @p1 .LBB1_5-.Ltmp3, $4  }
0x32: {  	v3 =	vld.idx.msk [tilespmem:v0+s19+$0xFFFFFFF0 ss:$0x1], $0xffff;
	[tilespmem:s20+$0x10] =	vst v2  }
0x33: {  	v1 =	vld.idx.msk [tilespmem:v0+s19+$0x0 ss:$0x1], $0xffff;
	[tilespmem:s20+$0x20] =	vst v6;
	s20 =	sadd.s32 $0x400, s20  }
0x34: {  	v2 =	vld.idx.msk [tilespmem:v0+s19+$0x10 ss:$0x1], $0xffff;
	[tilespmem:s20+$0x30] =	vst v7  }
0x35: {  	[tilespmem:s20+$0xFFFFFFC0] =	vst v8;
	v6 =	vld.idx.msk [tilespmem:v0+s19+$0x20 ss:$0x1], $0xffff;
	s19 =	sshra.s32 s21, $0x2;
	s21 =	sadd.s32 $0x200, s21  }
0x36: {  	_ =	sdelay $0x2  }
0x37: {  	[tilespmem:s20+$0xFFFFFFD0] =	vst v5  }
0x38: {  	v56 =	vld.idx.msk [tilespmem:v0+s19+$0x30 ss:$0x1], $0xffff;
	[tilespmem:s20+$0xFFFFFFE0] =	vst v4  }
0x39: {  	v57 =	vld.idx.msk [tilespmem:v0+s19+$0xFFFFFFC0 ss:$0x1], $0xffff;
	[tilespmem:s20+$0xFFFFFFF0] =	vst v3  }
0x3a: {  	v58 =	vld.idx.msk [tilespmem:v0+s19+$0xFFFFFFD0 ss:$0x1], $0xffff;
	[tilespmem:s20+$0x0] =	vst v1  }
0x3b: {  	v59 =	vld.idx.msk [tilespmem:v0+s19+$0xFFFFFFE0 ss:$0x1], $0xffff;
	[tilespmem:s20+$0x10] =	vst v2  }
0x3c: {  	v60 =	vld.idx.msk [tilespmem:v0+s19+$0xFFFFFFF0 ss:$0x1], $0xffff;
	s31 =	sadd.s32 $0x400, s20;
	[tilespmem:s20+$0x20] =	vst v6  }
0x3d: {  	v61 =	vld.idx.msk [tilespmem:v0+s19+$0x0 ss:$0x1], $0xffff;
	[tilespmem:s31+$0x30] =	vst v56  }
0x3e: {  	v62 =	vld.idx.msk [tilespmem:v0+s19+$0x10 ss:$0x1], $0xffff;
	s18 =	sadd.s32 $0x1, s18;
	[tilespmem:s31+$0xFFFFFFC0] =	vst v57  }
0x3f: {  	v63 =	vld.idx.msk [tilespmem:v0+s19+$0x20 ss:$0x1], $0xffff;
	p1 =	sne.s32 s18, $0x8;
	[tilespmem:s31+$0xFFFFFFD0] =	vst v58  }
.Ltmp4:
0x40: {  	[tilespmem:s31+$0xFFFFFFE0] =	vst v59;
	(pc) =	sbr.rel @p1 .LBB1_4-.Ltmp4, $4  }
0x41: {  	[tilespmem:s31+$0xFFFFFFF0] =	vst v60  }
0x42: {  	[tilespmem:s31+$0x0] =	vst v61  }
0x43: {  	[tilespmem:s31+$0x10] =	vst v62  }
0x44: {  	s16 =	sadd.s32 $0x80, s16;
	s17 =	sadd.s32 $0x400, s17;
	[tilespmem:s31+$0x20] =	vst v63  }
.Ltmp5:
0x45: {  	(pc) =	sbr.rel @p0 .LBB1_3-.Ltmp5, $2  }
0x46: {  	_ =	sdelay $0x2  }
0x47: {  	s16 =	simm.s32 $0x2000;
	p1 =	por $0x0, $0x0  }
.Ltmp6:
0x48: {  	(pc) =	sbr.rel .LBB1_9-.Ltmp6, $4  }
0x49: {  	_ = 	snop  }
0x4a: {  	s12 =	sshll.u32 s12, $0xA  }
0x4b: {  	s12 =	sadd.s32 s4, s12  }
0x4c: {  	[hbm4b:s12+s8] =	stream.linear.scatter [tilespmem:s13], [sflag:$0x2], $0x4000, $0x38;
	[tilespmem:$0x10000] =	vst v63  }
.LBB1_10:
0x4d: {  	_ =	sfence.sel $0x180000  }
0x4e: {  	s2 =	simm.s32 $0x1;
	[bflag:$0x0] =	sbarrier.arrive $0xFFFF  }
0x4f: {  	s31 =	simm.s32 $0x2;
	[sflag:s2] =	ssyncpa.u1 $0x1  }
0x50: {  	[sflag:s31] =	ssyncpa.u1 $0x1  }
0x51: {  	p0 =	sne.s32 s0, $0x0;
	_ =	strace $0x90000047  }
0x52: {  	s0 =	sadd.s32 @!p0 $0x100000, s1;
	[bflag:$0x2] =	sbarrier.arrive $0xFFFF  }
0x53: {  	[sflag:s0] =	ssyncadd.tile.s32 @!p0 $0x1;
	_ =	shalt  }
.Lfunc_end1:
_tile_overlayer_lowered:
.L_overlay_start_2:
0x54: {  	(tag) =	ssettag $0x2  }
0x55: {  	s0 =	rddreg [dreg:$0x0];
	s2 =	stileid.u32  }
0x56: {  	s1 =	rddreg [dreg:$0x1];
	p0 =	sne.s32 s2, $0x0  }
0x57: {  	s3 =	rddreg [dreg:$0x2];
	[bflag:$0x3] =	sbarrier.arrive $0xFFFF;
	s2 =	simm.s32 @!p0 $0x1C01  }
0x58: {  	[timem:s3], [sflag:s2] =	dma.local @!p0 [hbm:s0], s1  }
0x59: {  	s0 =	simm.s32 @!p0 $0x1  }
0x5a: {  	_ =	swait.ge @!p0 [sflag:s0], s1  }
0x5b: {  	s1 =	ssub.s32 @!p0 $0x0, s1;
	[sflag:s0] =	ssyncset.done @!p0 $0x0  }
0x5c: {  	[sflag:s0] =	ssyncadd.s32 @!p0 s1  }
0x5d: {  	[bflag:$0x3] =	sbarrier.arrive $0xFFFF  }
0x5e: {  	_ =	shalt  }

// kernel: sparse-core-data-format-call.cloned.1.call-start
scs
called_computation_lowered:
.L_overlay_start_0:
0x0: {  	s2 =	sld [smem:$0x3FD9]  }
0x1: {  	s3 =	sld [smem:$0x3FFE];
	_ =	sdelay $0x1  }
0x2: {  	s1 =	srdreg.scid  }
0x3: {  	s0 =	sand.u32 $0x1, s1  }
0x4: {  	s17 =	sshll.u32 s0, $0xA;
	s2 =	sadd.s32 s3, s2  }
0x5: {  	s2 =	sadd.s32 s2, s17  }
0x6: {  	[smem:$0x3FC2] =	sst s2  }
0x7: {  	_ = 	snop  }
0x8: {  	s18 =	sld [smem:$0x3FD0];
	_ =	sdelay $0x2  }
0x9: {  	s4 =	simm.s32 $0xB;
	s5 =	simm.s32 $0x10;
	s2 =	sld [smem:$0x3FC8]  }
0xa: {  	[smem:s5], [sflag:s4] =	dma.local [hbm:s18], $0x1  }
0xb: {  	_ =	swait.eq [sflag:s4], $0x1  }
0xc: {  	[sflag:s4] =	ssyncset.done $0x0  }
0xd: {  	[sflag:s4] =	ssyncadd.s32 $0xFFFFFFFF  }
0xe: {  	s19 =	sld [smem:$0x10];
	(tm) =	ssettm $0x1  }
0xf: {  	s20 =	sld [smem:$0x3FFB];
	_ =	sdelay $0x3  }
0x10: {  	_ =	strace s20  }
0x11: {  	s3 =	sld [smem:$0x3FFC];
	_ =	sdelay $0x3  }
0x12: {  	_ =	strace s3  }
0x13: {  	s3 =	sld [smem:$0x3FFD];
	_ =	sdelay $0x3  }
0x14: {  	_ =	strace s3  }
0x15: {  	_ =	strace $0x8FFFFFFF  }
0x16: {  	s21 =	sld [smem:$0x3FDB];
	_ =	sdelay $0x1  }
0x17: {  	s22 =	simm.s32 $_scs_section_size  }
0x18: {  	s6 =	simm.s32 $_size__tile_overlayer_lowered;
	s7 =	simm.s32 $_tile_overlayer_lowered  }
0x19: {  	s8 =	simm.s32 $0x1BFF;
	s23 =	sshll.u32 s7, $0x1;
	s5 =	sadd.s32 s22, s21  }
0x1a: {  	s24 =	simm.s32 $0x0;
	s6 =	sshll.u32 s6, $0x1;
	s7 =	sadd.s32 s23, s5  }
0x1b: {  	[timem:s24], [sflag:s8] =	dma.local [hbm:s7], s6  }
0x1c: {  	_ =	swait.ge [sflag:s8], s6  }
0x1d: {  	s6 =	ssub.s32 $0x0, s6;
	[sflag:s8] =	ssyncset.done $0x0  }
0x1e: {  	[sflag:s8] =	ssyncadd.s32 s6;
	_ =	sdelay $0x1  }
0x1f: {  	s25 =	simm.s32 $0x1B8B  }
0x20: {  	_ =	swait.ge [sflag:s25], $0x1  }
0x21: {  	[sflag:s25] =	ssyncset.done $0x0  }
0x22: {  	[sflag:s25] =	ssyncadd.s32 $0xFFFFFFFF  }
0x23: {  	s6 =	sld [smem:$0x0]  }
0x24: {  	s7 =	sand.u32 $0xFFFFFFFE, s1  }
0x25: {  	p0 =	sne.s32 s1, s7  }
0x26: {  	s7 =	sshll.u32 @p0 s7, $0xE  }
0x27: {  	s7 =	sadd.s32 @p0 $0x11B8D, s7;
	s8 =	sshll.u32 @p0 s6, $0x11  }
0x28: {  	s7 =	sor.u32 @p0 s8, s7  }
0x29: {  	[sflag:s7] =	ssyncadd.remote.s32 @p0 $0x1;
	_ =	sdelay $0x1  }
0x2a: {  	s7 =	simm.s32 @p0 $0x1B8D  }
0x2b: {  	_ =	swait.eq @p0 [sflag:s7], $0x1  }
0x2c: {  	[sflag:s7] =	ssyncadd.s32 @p0 $0xFFFFFFFF  }
0x2d: {  	s8 =	sshll.u32 @!p0 s1, $0xE  }
0x2e: {  	s8 =	sor.u32 @!p0 $0x4000, s8;
	s7 =	simm.s32 @!p0 $0x1B8D  }
0x2f: {  	s6 =	sshll.u32 @!p0 s6, $0x11;
	s8 =	sadd.s32 @!p0 $0x11B8D, s8;
	_ =	swait.eq @!p0 [sflag:s7], $0x1  }
0x30: {  	s6 =	sor.u32 @!p0 s6, s8;
	[sflag:s7] =	ssyncadd.s32 @!p0 $0xFFFFFFFF  }
0x31: {  	s26 =	simm.s32 $0x1B8E;
	[sflag:s6] =	ssyncadd.remote.s32 @!p0 $0x1  }
0x32: {  	s27 =	simm.s32 $execute0_lowered;
	[smem:$0x3FD2] =	sst s26  }
0x33: {  	s6 =	sshll.u32 s27, $0x1;
	_ =	strace $0x80000049;
	[dreg:$0x1] =	wrdreg $0xFFFFFFFF  }
0x34: {  	s28 =	simm.s32 $_size_execute0_lowered;
	s5 =	sadd.s32 s5, s6;
	[dreg:$0x0] =	wrdreg $0x0  }
0x35: {  	s6 =	sshll.u32 s28, $0x1;
	[dreg:$0x2] =	wrdreg s5  }
0x36: {  	[dreg:$0x3] =	wrdreg s6  }
0x37: {  	[dreg:$0x4] =	wrdreg $0xC0  }
0x38: {  	_ =	task [dreg:s24], $0x5FFFF  }
0x39: {  	[dreg:$0x1] =	wrdreg $0xFFFFFFFF  }
0x3a: {  	[dreg:$0x0] =	wrdreg $0x60  }
0x3b: {  	[dreg:$0x2] =	wrdreg s2  }
0x3c: {  	[dreg:$0x3] =	wrdreg s19  }
0x3d: {  	[dreg:$0x4] =	wrdreg $0x9  }
0x3e: {  	_ =	task.clear_ibuf [dreg:s24], $0x5FFFF;
	_ =	strace $0x90000049  }
0x3f: {  	s29 =	simm.s32 $0x9;
	_ =	strace $0x8000004B  }
0x40: {  	_ =	swait.ge [sflag:s29], $0x1  }
0x41: {  	[sflag:s29] =	ssyncadd.s32 $0xFFFFFFFF  }
0x42: {  	_ =	strace $0x9000004B  }
0x43: {  	_ =	sfence  }
0x44: {  	s30 =	sld [smem:$0x0];
	_ =	sdelay $0x2  }
0x45: {  	s31 =	sshll.u32 s1, $0xD;
	s1 =	sshrl.u32 s1, $0x2  }
0x46: {  	s4 =	sand.u32 $0x4000, s31;
	s1 =	sadd.s32 s1, s30  }
0x47: {  	s0 =	sor.u32 s4, s0;
	s1 =	sshll.u32 s1, $0x11  }
0x48: {  	s0 =	sor.u32 s1, s0  }
0x49: {  	s0 =	sadd.s32 $0x8F2B, s0  }
0x4a: {  	[sflag:s0] =	ssyncadd.remote.s32 $0x1  }
0x4b: {  	_ =	sfence.sel $0xFFFF  }
0x4c: {  	[dreg:$0x0] =	wrdreg $0xFFFFFFFF;
	(pc) =	sbr.abs _section_cstart, $3  }
0x4d: {  	[dreg:$0x1] =	wrdreg $0xFFFFFFFF  }
0x4e: {  	_ =	task.clear_ibuf [dreg:s24], $0x2FFFF;
	_ =	strace $0x9FFFFFFF  }
0x4f: {  	(tm) =	ssettm $0x7FFFFFFF  }
tec
execute0_lowered:
.L_overlay_start_1:
0x0: {  	(tag) =	ssettag $0x1  }
0x1: {  	s0 =	srdreg.scid  }
0x2: {  	s1 =	sshll.u32 s0, $0x4  }
0x3: {  	s2 =	rddreg [dreg:$0x0];
	s0 =	stileid.u32;
	s1 =	sand.u32 $0x10, s1  }
0x4: {  	s4 =	rddreg [dreg:$0x1];
	s1 =	sor.u32 s0, s1  }
0x5: {  	s7 =	simm.s32 $0x1;
	s8 =	simm.s32 $0x2;
	s3 =	sshll.u32 s1, $0x1  }
0x6: {  	s9 =	simm.s32 $0x0;
	s12 =	simm.s32 $0x0;
	s6 =	ssub.s32 $0x800, s3  }
.Ltmp0:
0x7: {  	s11 =	simm.s32 $0x0;
	s5 =	sand.u32 $0x3E, s6;
	(pc) =	sbr.rel .LBB1_1-.Ltmp0, $4  }
0x8: {  	s1 =	rddreg [dreg:$0x2];
	_ =	strace $0x8000004A;
	p0 =	sne.s32 s5, $0x0  }
0x9: {  	s6 =	sshrl.u32 s6, $0x6;
	s5 =	simm.s32 $0x1;
	s7 =	simm.s32 @!p0 $0x0  }
0xa: {  	s10 =	smov.u32 s3;
	[sflag:s5] =	ssyncpa.u1 $0x0;
	s6 =	sadd.s32 s7, s6  }
0xb: {  	[sflag:s8] =	ssyncpa.u1 $0x0;
	s8 =	simm.s32 $0x0;
	s7 =	sadd.s32 $0x1, s6  }
.LBB1_9:
0xc: {  	s14 =	sadd.s32 $0x40, s10  }
0xd: {  	p1 =	sgt.s32 s14, $0x7FF  }
0xe: {  	s14 =	smov.u32 @p1 s3;
	p1 =	sne.s32 s11, s7  }
.Ltmp1:
0xf: {  	p0 =	slt.u32 s11, $0x2;
	(pc) =	sbr.rel @!p1 .LBB1_10-.Ltmp1, $4  }
0x10: {  	s13 =	simm.s32 @!p0 $0x2  }
0x11: {  	s15 =	sadd.s32 $0x1, s11;
	_ =	swait.ge @!p0 [sflag:s13], $0x4000  }
0x12: {  	s12 =	smov.u32 s10;
	s9 =	sadd.s32 $0x4000, s9;
	[sflag:s13] =	ssyncset.done @!p0 $0x0  }
0x13: {  	s11 =	smov.u32 s15;
	s10 =	smov.u32 s14;
	[sflag:s13] =	ssyncadd.s32 @!p0 $0xFFFFC000  }
.LBB1_1:
0x14: {  	p0 =	sge.u32 s11, s6  }
0x15: {  	s13 =	sxor.u32 @!p0 $0xFFFFFFFF, s11  }
0x16: {  	s31 =	sadd.s32 $0xFFFFFFFF, s11;
	s14 =	sshll.u32 @!p0 s10, $0xA;
	s13 =	sshll.u32 @!p0 s13, $0xE  }
0x17: {  	s15 =	simm.s32 @!p0 $0x0;
	s14 =	sadd.s32 @!p0 s2, s14;
	s13 =	sand.u32 @!p0 $0x4000, s13  }
0x18: {  	[tilespmem:s13], [sflag:$0x1] =	stream.linear.gather @!p0 [hbm4b:s14+s15], $0x4000, $0x38;
	[tilespmem:$0x10000] =	vst v63  }
0x19: {  	p0 =	sge.u32 s31, s6  }
.Ltmp2:
0x1a: {  	_ = 	snop;
	(pc) =	sbr.rel @p0 .LBB1_9-.Ltmp2, $1  }
0x1b: {  	_ =	sdelay $0x3  }
0x1c: {  	s13 =	sshll.u32 s9, $0x2  }
0x1d: {  	_ =	swait.ge [sflag:s5], $0x4000;
	s14 =	sshll.u32 s11, $0xE;
	s16 =	simm.s32 $0x0  }
0x1e: {  	p1 =	por $0x1, $0x1;
	s13 =	sand.u32 $0x10000, s13;
	[sflag:s5] =	ssyncset.done $0x0  }
0x1f: {  	s14 =	sand.u32 $0x4000, s14;
	s15 =	sshrl.u32 s13, $0x2;
	[sflag:s5] =	ssyncadd.s32 $0xFFFFC000  }
0x20: {  	s13 =	sor.u32 $0x8000, s14;
	s14 =	sadd.s32 $0x8040, s15;
	s15 =	sadd.s32 $0x40, s15  }
.LBB1_3:
0x21: {  	s16 =	sshll.u32 s16, $0x2  }
0x22: {  	p0 =	por p1, p1;
	s17 =	sshra.s32 s16, $0x2  }
0x23: {  	s18 =	simm.s32 $0x0;
	s16 =	sadd.s32 s17, s14;
	s17 =	sadd.s32 s17, s15  }
.LBB1_4:
0x24: {  	v0 =	vmov s17;
	_ =	sdelay $0x3  }
0x25: {  	s20 =	simm.s32 $0x0  }
0x26: {  	v6 =	vld.idx.msk [tilespmem:v0+s20+$0x30 ss:$0x1], $0xffff  }
0x27: {  	v7 =	vld.idx.msk [tilespmem:v0+s20+$0xFFFFFFC0 ss:$0x1], $0xffff  }
0x28: {  	v5 =	vld.idx.msk [tilespmem:v0+s20+$0xFFFFFFD0 ss:$0x1], $0xffff  }
0x29: {  	v4 =	vld.idx.msk [tilespmem:v0+s20+$0xFFFFFFE0 ss:$0x1], $0xffff  }
0x2a: {  	v3 =	vld.idx.msk [tilespmem:v0+s20+$0xFFFFFFF0 ss:$0x1], $0xffff  }
0x2b: {  	v1 =	vld.idx.msk [tilespmem:v0+s20+$0x0 ss:$0x1], $0xffff  }
0x2c: {  	v2 =	vld.idx.msk [tilespmem:v0+s20+$0x10 ss:$0x1], $0xffff;
	[tilespmem:s16+$0x30] =	vst v6  }
0x2d: {  	s19 =	simm.s32 $0x80;
	s21 =	simm.s32 $0x400;
	[tilespmem:s16+$0xFFFFFFC0] =	vst v7;
	v6 =	vld.idx.msk [tilespmem:v0+s20+$0x20 ss:$0x1], $0xffff;
	s20 =	smov.u32 s16  }
.LBB1_5:
0x2e: {  	p1 =	sne.s32 s21, $0xE00;
	v7 =	vld.idx.msk [tilespmem:v0+s19+$0x30 ss:$0x1], $0xffff;
	[tilespmem:s20+$0xFFFFFFD0] =	vst v5  }
0x2f: {  	v8 =	vld.idx.msk [tilespmem:v0+s19+$0xFFFFFFC0 ss:$0x1], $0xffff;
	[tilespmem:s20+$0xFFFFFFE0] =	vst v4  }
0x30: {  	v5 =	vld.idx.msk [tilespmem:v0+s19+$0xFFFFFFD0 ss:$0x1], $0xffff;
	[tilespmem:s20+$0xFFFFFFF0] =	vst v3  }
.Ltmp3:
0x31: {  	v4 =	vld.idx.msk [tilespmem:v0+s19+$0xFFFFFFE0 ss:$0x1], $0xffff;
	[tilespmem:s20+$0x0] =	vst v1;
	(pc) =	sbr.rel @p1 .LBB1_5-.Ltmp3, $4  }
0x32: {  	v3 =	vld.idx.msk [tilespmem:v0+s19+$0xFFFFFFF0 ss:$0x1], $0xffff;
	[tilespmem:s20+$0x10] =	vst v2  }
0x33: {  	v1 =	vld.idx.msk [tilespmem:v0+s19+$0x0 ss:$0x1], $0xffff;
	[tilespmem:s20+$0x20] =	vst v6;
	s20 =	sadd.s32 $0x400, s20  }
0x34: {  	v2 =	vld.idx.msk [tilespmem:v0+s19+$0x10 ss:$0x1], $0xffff;
	[tilespmem:s20+$0x30] =	vst v7  }
0x35: {  	[tilespmem:s20+$0xFFFFFFC0] =	vst v8;
	v6 =	vld.idx.msk [tilespmem:v0+s19+$0x20 ss:$0x1], $0xffff;
	s19 =	sshra.s32 s21, $0x2;
	s21 =	sadd.s32 $0x200, s21  }
0x36: {  	_ =	sdelay $0x2  }
0x37: {  	[tilespmem:s20+$0xFFFFFFD0] =	vst v5  }
0x38: {  	v56 =	vld.idx.msk [tilespmem:v0+s19+$0x30 ss:$0x1], $0xffff;
	[tilespmem:s20+$0xFFFFFFE0] =	vst v4  }
0x39: {  	v57 =	vld.idx.msk [tilespmem:v0+s19+$0xFFFFFFC0 ss:$0x1], $0xffff;
	[tilespmem:s20+$0xFFFFFFF0] =	vst v3  }
0x3a: {  	v58 =	vld.idx.msk [tilespmem:v0+s19+$0xFFFFFFD0 ss:$0x1], $0xffff;
	[tilespmem:s20+$0x0] =	vst v1  }
0x3b: {  	v59 =	vld.idx.msk [tilespmem:v0+s19+$0xFFFFFFE0 ss:$0x1], $0xffff;
	[tilespmem:s20+$0x10] =	vst v2  }
0x3c: {  	v60 =	vld.idx.msk [tilespmem:v0+s19+$0xFFFFFFF0 ss:$0x1], $0xffff;
	s31 =	sadd.s32 $0x400, s20;
	[tilespmem:s20+$0x20] =	vst v6  }
0x3d: {  	v61 =	vld.idx.msk [tilespmem:v0+s19+$0x0 ss:$0x1], $0xffff;
	[tilespmem:s31+$0x30] =	vst v56  }
0x3e: {  	v62 =	vld.idx.msk [tilespmem:v0+s19+$0x10 ss:$0x1], $0xffff;
	s18 =	sadd.s32 $0x1, s18;
	[tilespmem:s31+$0xFFFFFFC0] =	vst v57  }
0x3f: {  	v63 =	vld.idx.msk [tilespmem:v0+s19+$0x20 ss:$0x1], $0xffff;
	p1 =	sne.s32 s18, $0x8;
	[tilespmem:s31+$0xFFFFFFD0] =	vst v58  }
.Ltmp4:
0x40: {  	[tilespmem:s31+$0xFFFFFFE0] =	vst v59;
	(pc) =	sbr.rel @p1 .LBB1_4-.Ltmp4, $4  }
0x41: {  	[tilespmem:s31+$0xFFFFFFF0] =	vst v60  }
0x42: {  	[tilespmem:s31+$0x0] =	vst v61  }
0x43: {  	[tilespmem:s31+$0x10] =	vst v62  }
0x44: {  	s16 =	sadd.s32 $0x80, s16;
	s17 =	sadd.s32 $0x400, s17;
	[tilespmem:s31+$0x20] =	vst v63  }
.Ltmp5:
0x45: {  	(pc) =	sbr.rel @p0 .LBB1_3-.Ltmp5, $2  }
0x46: {  	_ =	sdelay $0x2  }
0x47: {  	s16 =	simm.s32 $0x2000;
	p1 =	por $0x0, $0x0  }
.Ltmp6:
0x48: {  	(pc) =	sbr.rel .LBB1_9-.Ltmp6, $4  }
0x49: {  	_ = 	snop  }
0x4a: {  	s12 =	sshll.u32 s12, $0xA  }
0x4b: {  	s12 =	sadd.s32 s4, s12  }
0x4c: {  	[hbm4b:s12+s8] =	stream.linear.scatter [tilespmem:s13], [sflag:$0x2], $0x4000, $0x38;
	[tilespmem:$0x10000] =	vst v63  }
.LBB1_10:
0x4d: {  	_ =	sfence.sel $0x180000  }
0x4e: {  	s2 =	simm.s32 $0x1;
	[bflag:$0x0] =	sbarrier.arrive $0xFFFF  }
0x4f: {  	s31 =	simm.s32 $0x2;
	[sflag:s2] =	ssyncpa.u1 $0x1  }
0x50: {  	[sflag:s31] =	ssyncpa.u1 $0x1  }
0x51: {  	p0 =	sne.s32 s0, $0x0;
	_ =	strace $0x9000004A  }
0x52: {  	s0 =	sadd.s32 @!p0 $0x100000, s1;
	[bflag:$0x2] =	sbarrier.arrive $0xFFFF  }
0x53: {  	[sflag:s0] =	ssyncadd.tile.s32 @!p0 $0x1;
	_ =	shalt  }
.Lfunc_end1:
_tile_overlayer_lowered:
.L_overlay_start_2:
0x54: {  	(tag) =	ssettag $0x2  }
0x55: {  	s0 =	rddreg [dreg:$0x0];
	s2 =	stileid.u32  }
0x56: {  	s1 =	rddreg [dreg:$0x1];
	p0 =	sne.s32 s2, $0x0  }
0x57: {  	s3 =	rddreg [dreg:$0x2];
	[bflag:$0x3] =	sbarrier.arrive $0xFFFF;
	s2 =	simm.s32 @!p0 $0x1C01  }
0x58: {  	[timem:s3], [sflag:s2] =	dma.local @!p0 [hbm:s0], s1  }
0x59: {  	s0 =	simm.s32 @!p0 $0x1  }
0x5a: {  	_ =	swait.ge @!p0 [sflag:s0], s1  }
0x5b: {  	s1 =	ssub.s32 @!p0 $0x0, s1;
	[sflag:s0] =	ssyncset.done @!p0 $0x0  }
0x5c: {  	[sflag:s0] =	ssyncadd.s32 @!p0 s1  }
0x5d: {  	[bflag:$0x3] =	sbarrier.arrive $0xFFFF  }
0x5e: {  	_ =	shalt  }

</sc_bundles>
